<compile_context>
chip_gen: v7x
topology: tpu7x:2x2x1
jax: 0.10.2.dev20260603
libtpu: 0.0.44.dev20260713+nightly
codegen_flags: <defaults>
</compile_context>

<pallas_src>
import functools

import numpy as np
import jax
from jax import lax
import jax.numpy as jnp
from jax.experimental import pallas as pl
from jax.experimental.pallas import tpu as pltpu
from jax.experimental.pallas import tpu_sc as plsc

_N_BASE = 10000.0
_LANES = 16
_NC, _NS = 2, 16
_NW = _NC * _NS
_NBUF = 4


def _sinusoid_table(seq_len: int, d_model: int) -> np.ndarray:
    pos = np.arange(seq_len, dtype=np.float32)[:, None]
    div = np.exp(
        np.arange(0, d_model, 2, dtype=np.float32) * (-np.log(_N_BASE) / d_model)
    )
    enc = np.zeros((seq_len, d_model), np.float32)
    enc[:, 0::2] = np.sin(pos * div)
    enc[:, 1::2] = np.cos(pos * div)
    return enc


def kernel(input, table):
    B, S = input.shape
    V, D = table.shape
    idx = input.astype(jnp.int32)
    pos = jnp.asarray(_sinusoid_table(S, D))

    rows_per_w = B // _NW

    mesh = plsc.VectorSubcoreMesh(core_axis_name="core", subcore_axis_name="subcore")

    @functools.partial(
        pl.kernel,
        out_type=jax.ShapeDtypeStruct((B, S, D), jnp.float32),
        mesh=mesh,
        compiler_params=pltpu.CompilerParams(use_tc_tiling_on_sc=False),
        scratch_types=[
            pltpu.VMEM((rows_per_w, S), jnp.int32),
            pltpu.VMEM((_NBUF, S, D), jnp.float32),
            pltpu.VMEM((S, D), jnp.float32),
            pltpu.SemaphoreType.DMA,
            pltpu.SemaphoreType.DMA((_NBUF,)),
            pltpu.SemaphoreType.DMA((_NBUF,)),
        ],
    )
    def emb_kernel(table_hbm, idx_hbm, pos_hbm, out_hbm,
                   idx_v, rows_v, pos_v, sem_p, sem_g, sem_o):
        wid = lax.axis_index("subcore") * _NC + lax.axis_index("core")
        base = wid * rows_per_w

        pltpu.async_copy(idx_hbm.at[pl.ds(base, rows_per_w)], idx_v, sem_p).wait()
        pltpu.async_copy(pos_hbm, pos_v, sem_p).wait()

        def gather_start(g, b):
            pltpu.async_copy(
                table_hbm.at[idx_v.at[g]], rows_v.at[b], sem_g.at[b],
            )

        def gather_wait(g, b):
            pltpu.make_async_copy(
                table_hbm.at[idx_v.at[g]], rows_v.at[b], sem_g.at[b],
            ).wait()

        def out_start(g, b):
            pltpu.async_copy(rows_v.at[b], out_hbm.at[base + g], sem_o.at[b])

        def out_wait(g, b):
            pltpu.make_async_copy(
                rows_v.at[b], out_hbm.at[base + g], sem_o.at[b],
            ).wait()

        gather_start(0, 0)
        gather_start(1, 1)

        @pl.loop(0, rows_per_w, step=_NBUF)
        def _(g0):
            for k in range(_NBUF):
                g = g0 + k
                b = k
                b_next = (k + 2) % _NBUF

                @pl.when(g + 2 < rows_per_w)
                def _():
                    @pl.when(g >= 2)
                    def _():
                        out_wait(g - 2, b_next)

                    gather_start(g + 2, b_next)

                gather_wait(g, b)

                @plsc.parallel_loop(0, S, unroll=8)
                def _(r):
                    for c in range(0, D, _LANES):
                        rows_v[b, r, pl.ds(c, _LANES)] += pos_v[r, pl.ds(c, _LANES)]

                out_start(g, b)

        for k in range(_NBUF):
            out_wait(rows_per_w - _NBUF + k, k)

    return emb_kernel(table, idx, pos)

# --- scband reference (transcript-rebuilt; emitter-appended) ---
"""Pipeline reference for scband-pos-embedding-89154931130699 (READ-ONLY COPY).

The authoritative reference and input builder live on the scoring server;
editing this copy changes nothing except your own understanding.
"""

import jax, jax.numpy as jnp
import numpy as np

D_MODEL = 64
SEQ_LENGTH = 200
NUMBER_TOKENS = 1000000
N_BASE = 10000


def get_pos_encodings(seq_length, d_model, n):
    position = jnp.arange(0, seq_length, dtype=jnp.float32)[:, None]
    div_term = jnp.exp(jnp.arange(0, d_model, 2, dtype=jnp.float32) * (-np.log(n) / d_model))
    enc = jnp.zeros((seq_length, d_model), dtype=jnp.float32)
    enc = enc.at[:, 0::2].set(jnp.sin(position * div_term))
    enc = enc.at[:, 1::2].set(jnp.cos(position * div_term))
    return enc[None, :, :]


def setup_inputs(seed: int = 0) -> dict:
    key = jax.random.key(seed)
    k1, k2 = jax.random.split(key)
    inp = jax.random.randint(k1, (4096, 200), 0, NUMBER_TOKENS, dtype=jnp.int64)
    # nn.Embedding default init: N(0, 1)
    table = jax.random.normal(k2, (NUMBER_TOKENS, D_MODEL), dtype=jnp.float32)
    return {"input": inp, "table": table}


def reference(input, table):
    embedding = jnp.take(table, input, axis=0)  # [B, S, d_model]
    seq_len = input.shape[1]
    pos_encoding = get_pos_encodings(SEQ_LENGTH, D_MODEL, N_BASE)[:, :seq_len, :]
    output = embedding + pos_encoding  # broadcast over batch
    return output

if __name__ == "__main__":
    import jax
    _d = setup_inputs()
    print(jax.jit(kernel)(*tuple(_d.values())))

</pallas_src>

<mosaic_0001>
#map = affine_map<(d0, d1) -> (0, 0)>
#map1 = affine_map<(d0, d1) -> (0, 0, 0)>
module attributes {stable_mosaic.version = 14 : i64} {
  func.func @emb_kernel(%arg0: i32, %arg1: i32, %arg2: memref<1000000x64xf32, #tpu.memory_space<hbm>>, %arg3: memref<4096x200xi32, #tpu.memory_space<hbm>>, %arg4: memref<200x64xf32, #tpu.memory_space<hbm>>, %arg5: memref<4096x200x64xf32, #tpu.memory_space<hbm>>, %arg6: memref<128x200xi32, #tpu.memory_space<vmem>>, %arg7: memref<4x200x64xf32, #tpu.memory_space<vmem>>, %arg8: memref<200x64xf32, #tpu.memory_space<vmem>>, %arg9: memref<!tpu.dma_semaphore, #tpu.memory_space<semaphore_mem>>, %arg10: memref<4x!tpu.dma_semaphore, #tpu.memory_space<semaphore_mem>>, %arg11: memref<4x!tpu.dma_semaphore, #tpu.memory_space<semaphore_mem>>) attributes {dimension_semantics = [#tpu.dimension_semantics<core_parallel>, #tpu.dimension_semantics<subcore_parallel>], iteration_bounds = array<i64: 2, 16>, scalar_prefetch = 0 : i64, scratch_operands = 6 : i64, tpu.core_type = #tpu.core_type<sc_vector_subcore>, window_params = [{transform_indices = #map}, {transform_indices = #map}, {transform_indices = #map}, {transform_indices = #map1}]} {
    %mul3A = arith.constant 2 : i32
    %mul3A_0 = arith.muli %arg1, %mul3A : i32
    %add3A = arith.addi %mul3A_0, %arg0 : i32
    %mul3A_1 = arith.constant 128 : i32
    %mul3A_2 = arith.muli %add3A, %mul3A_1 : i32
    %dma_start3A = arith.constant 0 : i32
    %dma_start3A_3 = tpu.memref_slice %arg3[%mul3A_2, %dma_start3A] : memref<4096x200xi32, #tpu.memory_space<hbm>> -> memref<128x200xi32, #tpu.memory_space<hbm>>
    %dma_start3A_4 = arith.constant 0 : i32
    %dma_start3A_5 = tpu.memref_slice %arg3[%mul3A_2, %dma_start3A_4] : memref<4096x200xi32, #tpu.memory_space<hbm>> -> memref<128x200xi32, #tpu.memory_space<hbm>>
    tpu.enqueue_dma source(%dma_start3A_5 : memref<128x200xi32, #tpu.memory_space<hbm>>) target(%arg6 : memref<128x200xi32, #tpu.memory_space<vmem>>) target_semaphore(%arg9 : memref<!tpu.dma_semaphore, #tpu.memory_space<semaphore_mem>>)
    %dma_wait3A = arith.constant 0 : i32
    %dma_wait3A_6 = tpu.memref_slice %arg3[%mul3A_2, %dma_wait3A] : memref<4096x200xi32, #tpu.memory_space<hbm>> -> memref<128x200xi32, #tpu.memory_space<hbm>>
    %dma_wait3A_7 = arith.constant 0 : i32
    %dma_wait3A_8 = tpu.memref_slice %arg3[%mul3A_2, %dma_wait3A_7] : memref<4096x200xi32, #tpu.memory_space<hbm>> -> memref<128x200xi32, #tpu.memory_space<hbm>>
    tpu.wait_dma2 semaphore(%arg9 : memref<!tpu.dma_semaphore, #tpu.memory_space<semaphore_mem>>) src(%dma_wait3A_8 : memref<128x200xi32, #tpu.memory_space<hbm>>) dst(%arg6 : memref<128x200xi32, #tpu.memory_space<vmem>>)
    tpu.enqueue_dma source(%arg4 : memref<200x64xf32, #tpu.memory_space<hbm>>) target(%arg8 : memref<200x64xf32, #tpu.memory_space<vmem>>) target_semaphore(%arg9 : memref<!tpu.dma_semaphore, #tpu.memory_space<semaphore_mem>>)
    tpu.wait_dma2 semaphore(%arg9 : memref<!tpu.dma_semaphore, #tpu.memory_space<semaphore_mem>>) src(%arg4 : memref<200x64xf32, #tpu.memory_space<hbm>>) dst(%arg8 : memref<200x64xf32, #tpu.memory_space<vmem>>)
    %dma_start3A_9 = arith.constant 0 : i32
    %dma_start3A_10 = arith.constant 0 : i32
    %dma_start3A_11 = arith.constant 0 : i32
    %dma_start3A_12 = arith.constant 0 : i32
    %dma_start3A_13 = arith.constant 0 : i32
    %dma_start3A_14 = tpu.memref_slice %arg7[%dma_start3A_10, %dma_start3A_12, %dma_start3A_13] : memref<4x200x64xf32, #tpu.memory_space<vmem>> -> memref<1x200x64xf32, #tpu.memory_space<vmem>>
    %dma_start3A_15 = tpu.memref_squeeze %dma_start3A_14 : memref<1x200x64xf32, #tpu.memory_space<vmem>> -> memref<200x64xf32, #tpu.memory_space<vmem>>
    %dma_start3A_16 = arith.constant 0 : i32
    %dma_start3A_17 = tpu.memref_slice %arg6[%dma_start3A_9, %dma_start3A_16] : memref<128x200xi32, #tpu.memory_space<vmem>> -> memref<1x200xi32, #tpu.memory_space<vmem>>
    %dma_start3A_18 = tpu.memref_squeeze %dma_start3A_17 : memref<1x200xi32, #tpu.memory_space<vmem>> -> memref<200xi32, #tpu.memory_space<vmem>>
    %dma_start3A_19 = arith.constant 0 : i32
    %dma_start3A_20 = arith.constant 0 : i32
    %dma_start3A_21 = tpu.memref_slice %arg2[%dma_start3A_19, %dma_start3A_20] : memref<1000000x64xf32, #tpu.memory_space<hbm>> -> memref<1000000x64xf32, #tpu.memory_space<hbm>>
    %dma_start3A_22 = tpu.memref_slice %arg10[%dma_start3A_11] : memref<4x!tpu.dma_semaphore, #tpu.memory_space<semaphore_mem>> -> memref<1x!tpu.dma_semaphore, #tpu.memory_space<semaphore_mem>>
    %dma_start3A_23 = tpu.memref_squeeze %dma_start3A_22 : memref<1x!tpu.dma_semaphore, #tpu.memory_space<semaphore_mem>> -> memref<!tpu.dma_semaphore, #tpu.memory_space<semaphore_mem>>
    tpu.enqueue_indirect_dma source(%dma_start3A_21 : memref<1000000x64xf32, #tpu.memory_space<hbm>>) target(%dma_start3A_15 : memref<200x64xf32, #tpu.memory_space<vmem>>) offsets(%dma_start3A_18 : memref<200xi32, #tpu.memory_space<vmem>>) semaphore(%dma_start3A_23 : memref<!tpu.dma_semaphore, #tpu.memory_space<semaphore_mem>>)
    %dma_start3A_24 = arith.constant 1 : i32
    %dma_start3A_25 = arith.constant 1 : i32
    %dma_start3A_26 = arith.constant 1 : i32
    %dma_start3A_27 = arith.constant 0 : i32
    %dma_start3A_28 = arith.constant 0 : i32
    %dma_start3A_29 = tpu.memref_slice %arg7[%dma_start3A_25, %dma_start3A_27, %dma_start3A_28] : memref<4x200x64xf32, #tpu.memory_space<vmem>> -> memref<1x200x64xf32, #tpu.memory_space<vmem>>
    %dma_start3A_30 = tpu.memref_squeeze %dma_start3A_29 : memref<1x200x64xf32, #tpu.memory_space<vmem>> -> memref<200x64xf32, #tpu.memory_space<vmem>>
    %dma_start3A_31 = arith.constant 0 : i32
    %dma_start3A_32 = tpu.memref_slice %arg6[%dma_start3A_24, %dma_start3A_31] : memref<128x200xi32, #tpu.memory_space<vmem>> -> memref<1x200xi32, #tpu.memory_space<vmem>>
    %dma_start3A_33 = tpu.memref_squeeze %dma_start3A_32 : memref<1x200xi32, #tpu.memory_space<vmem>> -> memref<200xi32, #tpu.memory_space<vmem>>
    %dma_start3A_34 = arith.constant 0 : i32
    %dma_start3A_35 = arith.constant 0 : i32
    %dma_start3A_36 = tpu.memref_slice %arg2[%dma_start3A_34, %dma_start3A_35] : memref<1000000x64xf32, #tpu.memory_space<hbm>> -> memref<1000000x64xf32, #tpu.memory_space<hbm>>
    %dma_start3A_37 = tpu.memref_slice %arg10[%dma_start3A_26] : memref<4x!tpu.dma_semaphore, #tpu.memory_space<semaphore_mem>> -> memref<1x!tpu.dma_semaphore, #tpu.memory_space<semaphore_mem>>
    %dma_start3A_38 = tpu.memref_squeeze %dma_start3A_37 : memref<1x!tpu.dma_semaphore, #tpu.memory_space<semaphore_mem>> -> memref<!tpu.dma_semaphore, #tpu.memory_space<semaphore_mem>>
    tpu.enqueue_indirect_dma source(%dma_start3A_36 : memref<1000000x64xf32, #tpu.memory_space<hbm>>) target(%dma_start3A_30 : memref<200x64xf32, #tpu.memory_space<vmem>>) offsets(%dma_start3A_33 : memref<200xi32, #tpu.memory_space<vmem>>) semaphore(%dma_start3A_38 : memref<!tpu.dma_semaphore, #tpu.memory_space<semaphore_mem>>)
    %scan3A = arith.constant 0 : i32
    %scan3A_39 = arith.constant 32 : i32
    %scan3A_40 = arith.addi %scan3A, %scan3A_39 : i32
    %scan3A_41 = arith.constant 1 : i32
    scf.for %scan3A_131 = %scan3A to %scan3A_40 step %scan3A_41  : i32 {
      %mul3A_132 = arith.constant 4 : i32
      %mul3A_133 = arith.muli %scan3A_131, %mul3A_132 : i32
      %add3A_134 = arith.constant 0 : i32
      %add3A_135 = arith.addi %add3A_134, %mul3A_133 : i32
      %add3A_136 = arith.constant 0 : i32
      %add3A_137 = arith.addi %add3A_135, %add3A_136 : i32
      %add3A_138 = arith.constant 2 : i32
      %add3A_139 = arith.addi %add3A_137, %add3A_138 : i32
      %lt3A = arith.constant 128 : i32
      %lt3A_140 = arith.cmpi slt, %add3A_139, %lt3A : i32
      %convert_element_type3A = arith.extui %lt3A_140 : i1 to i32
      %cond3A = arith.constant 0 : i32
      %cond3A_141 = arith.cmpi ne, %convert_element_type3A, %cond3A : i32
      scf.if %cond3A_141 {
        %ge3A = arith.constant 2 : i32
        %ge3A_320 = arith.cmpi sge, %add3A_137, %ge3A : i32
        %convert_element_type3A_321 = arith.extui %ge3A_320 : i1 to i32
        %cond3A_322 = arith.constant 0 : i32
        %cond3A_323 = arith.cmpi ne, %convert_element_type3A_321, %cond3A_322 : i32
        scf.if %cond3A_323 {
          %sub3A = arith.constant 2 : i32
          %sub3A_340 = arith.subi %add3A_137, %sub3A : i32
          %add3A_341 = arith.addi %mul3A_2, %sub3A_340 : i32
          %dma_wait3A_342 = arith.constant 2 : i32
          %dma_wait3A_343 = arith.constant 2 : i32
          %dma_wait3A_344 = arith.constant 0 : i32
          %dma_wait3A_345 = arith.constant 0 : i32
          %dma_wait3A_346 = tpu.memref_slice %arg7[%dma_wait3A_342, %dma_wait3A_344, %dma_wait3A_345] : memref<4x200x64xf32, #tpu.memory_space<vmem>> -> memref<1x200x64xf32, #tpu.memory_space<vmem>>
          %dma_wait3A_347 = tpu.memref_squeeze %dma_wait3A_346 : memref<1x200x64xf32, #tpu.memory_space<vmem>> -> memref<200x64xf32, #tpu.memory_space<vmem>>
          %dma_wait3A_348 = arith.constant 0 : i32
          %dma_wait3A_349 = arith.constant 0 : i32
          %dma_wait3A_350 = tpu.memref_slice %arg5[%add3A_341, %dma_wait3A_348, %dma_wait3A_349] : memref<4096x200x64xf32, #tpu.memory_space<hbm>> -> memref<1x200x64xf32, #tpu.memory_space<hbm>>
          %dma_wait3A_351 = tpu.memref_squeeze %dma_wait3A_350 : memref<1x200x64xf32, #tpu.memory_space<hbm>> -> memref<200x64xf32, #tpu.memory_space<hbm>>
          %dma_wait3A_352 = tpu.memref_slice %arg11[%dma_wait3A_343] : memref<4x!tpu.dma_semaphore, #tpu.memory_space<semaphore_mem>> -> memref<1x!tpu.dma_semaphore, #tpu.memory_space<semaphore_mem>>
          %dma_wait3A_353 = tpu.memref_squeeze %dma_wait3A_352 : memref<1x!tpu.dma_semaphore, #tpu.memory_space<semaphore_mem>> -> memref<!tpu.dma_semaphore, #tpu.memory_space<semaphore_mem>>
          %dma_wait3A_354 = arith.constant 0 : i32
          %dma_wait3A_355 = arith.constant 0 : i32
          %dma_wait3A_356 = tpu.memref_slice %arg5[%add3A_341, %dma_wait3A_354, %dma_wait3A_355] : memref<4096x200x64xf32, #tpu.memory_space<hbm>> -> memref<1x200x64xf32, #tpu.memory_space<hbm>>
          %dma_wait3A_357 = tpu.memref_squeeze %dma_wait3A_356 : memref<1x200x64xf32, #tpu.memory_space<hbm>> -> memref<200x64xf32, #tpu.memory_space<hbm>>
          %dma_wait3A_358 = arith.constant 0 : i32
          %dma_wait3A_359 = arith.constant 0 : i32
          %dma_wait3A_360 = tpu.memref_slice %arg7[%dma_wait3A_342, %dma_wait3A_358, %dma_wait3A_359] : memref<4x200x64xf32, #tpu.memory_space<vmem>> -> memref<1x200x64xf32, #tpu.memory_space<vmem>>
          %dma_wait3A_361 = tpu.memref_squeeze %dma_wait3A_360 : memref<1x200x64xf32, #tpu.memory_space<vmem>> -> memref<200x64xf32, #tpu.memory_space<vmem>>
          tpu.wait_dma2 semaphore(%dma_wait3A_353 : memref<!tpu.dma_semaphore, #tpu.memory_space<semaphore_mem>>) src(%dma_wait3A_361 : memref<200x64xf32, #tpu.memory_space<vmem>>) dst(%dma_wait3A_357 : memref<200x64xf32, #tpu.memory_space<hbm>>)
        } else {
        }
        %add3A_324 = arith.constant 2 : i32
        %add3A_325 = arith.addi %add3A_137, %add3A_324 : i32
        %dma_start3A_326 = arith.constant 2 : i32
        %dma_start3A_327 = arith.constant 2 : i32
        %dma_start3A_328 = arith.constant 0 : i32
        %dma_start3A_329 = arith.constant 0 : i32
        %dma_start3A_330 = tpu.memref_slice %arg7[%dma_start3A_326, %dma_start3A_328, %dma_start3A_329] : memref<4x200x64xf32, #tpu.memory_space<vmem>> -> memref<1x200x64xf32, #tpu.memory_space<vmem>>
        %dma_start3A_331 = tpu.memref_squeeze %dma_start3A_330 : memref<1x200x64xf32, #tpu.memory_space<vmem>> -> memref<200x64xf32, #tpu.memory_space<vmem>>
        %dma_start3A_332 = arith.constant 0 : i32
        %dma_start3A_333 = tpu.memref_slice %arg6[%add3A_325, %dma_start3A_332] : memref<128x200xi32, #tpu.memory_space<vmem>> -> memref<1x200xi32, #tpu.memory_space<vmem>>
        %dma_start3A_334 = tpu.memref_squeeze %dma_start3A_333 : memref<1x200xi32, #tpu.memory_space<vmem>> -> memref<200xi32, #tpu.memory_space<vmem>>
        %dma_start3A_335 = arith.constant 0 : i32
        %dma_start3A_336 = arith.constant 0 : i32
        %dma_start3A_337 = tpu.memref_slice %arg2[%dma_start3A_335, %dma_start3A_336] : memref<1000000x64xf32, #tpu.memory_space<hbm>> -> memref<1000000x64xf32, #tpu.memory_space<hbm>>
        %dma_start3A_338 = tpu.memref_slice %arg10[%dma_start3A_327] : memref<4x!tpu.dma_semaphore, #tpu.memory_space<semaphore_mem>> -> memref<1x!tpu.dma_semaphore, #tpu.memory_space<semaphore_mem>>
        %dma_start3A_339 = tpu.memref_squeeze %dma_start3A_338 : memref<1x!tpu.dma_semaphore, #tpu.memory_space<semaphore_mem>> -> memref<!tpu.dma_semaphore, #tpu.memory_space<semaphore_mem>>
        tpu.enqueue_indirect_dma source(%dma_start3A_337 : memref<1000000x64xf32, #tpu.memory_space<hbm>>) target(%dma_start3A_331 : memref<200x64xf32, #tpu.memory_space<vmem>>) offsets(%dma_start3A_334 : memref<200xi32, #tpu.memory_space<vmem>>) semaphore(%dma_start3A_339 : memref<!tpu.dma_semaphore, #tpu.memory_space<semaphore_mem>>)
      } else {
      }
      %dma_wait3A_142 = arith.constant 0 : i32
      %dma_wait3A_143 = arith.constant 0 : i32
      %dma_wait3A_144 = arith.constant 0 : i32
      %dma_wait3A_145 = arith.constant 0 : i32
      %dma_wait3A_146 = tpu.memref_slice %arg7[%dma_wait3A_142, %dma_wait3A_144, %dma_wait3A_145] : memref<4x200x64xf32, #tpu.memory_space<vmem>> -> memref<1x200x64xf32, #tpu.memory_space<vmem>>
      %dma_wait3A_147 = tpu.memref_squeeze %dma_wait3A_146 : memref<1x200x64xf32, #tpu.memory_space<vmem>> -> memref<200x64xf32, #tpu.memory_space<vmem>>
      %dma_wait3A_148 = arith.constant 0 : i32
      %dma_wait3A_149 = tpu.memref_slice %arg6[%add3A_137, %dma_wait3A_148] : memref<128x200xi32, #tpu.memory_space<vmem>> -> memref<1x200xi32, #tpu.memory_space<vmem>>
      %dma_wait3A_150 = tpu.memref_squeeze %dma_wait3A_149 : memref<1x200xi32, #tpu.memory_space<vmem>> -> memref<200xi32, #tpu.memory_space<vmem>>
      %dma_wait3A_151 = arith.constant 0 : i32
      %dma_wait3A_152 = arith.constant 0 : i32
      %dma_wait3A_153 = tpu.memref_slice %arg2[%dma_wait3A_151, %dma_wait3A_152] : memref<1000000x64xf32, #tpu.memory_space<hbm>> -> memref<1000000x64xf32, #tpu.memory_space<hbm>>
      %dma_wait3A_154 = tpu.memref_slice %arg10[%dma_wait3A_143] : memref<4x!tpu.dma_semaphore, #tpu.memory_space<semaphore_mem>> -> memref<1x!tpu.dma_semaphore, #tpu.memory_space<semaphore_mem>>
      %dma_wait3A_155 = tpu.memref_squeeze %dma_wait3A_154 : memref<1x!tpu.dma_semaphore, #tpu.memory_space<semaphore_mem>> -> memref<!tpu.dma_semaphore, #tpu.memory_space<semaphore_mem>>
      tpu.wait_indirect_dma semaphore(%dma_wait3A_155 : memref<!tpu.dma_semaphore, #tpu.memory_space<semaphore_mem>>) src(%dma_wait3A_153 : memref<1000000x64xf32, #tpu.memory_space<hbm>>) dst(%dma_wait3A_147 : memref<200x64xf32, #tpu.memory_space<vmem>>)
      %parallel_loop3A = arith.constant 0 : i32
      %parallel_loop3A_156 = arith.constant 200 : i32
      %parallel_loop3A_157 = arith.constant 1 : i32
      scf.for %parallel_loop3A_320 = %parallel_loop3A to %parallel_loop3A_156 step %parallel_loop3A_157  : i32 {
        %parallel_loop3A_321 = arith.constant 0 : i32
        %parallel_loop3A_322 = arith.index_cast %parallel_loop3A_321 : i32 to index
        %parallel_loop3A_323 = arith.index_cast %parallel_loop3A_320 : i32 to index
        %parallel_loop3A_324 = arith.constant 0 : index
        %parallel_loop3A_325 = tpu.vector_load %arg7[%parallel_loop3A_322, %parallel_loop3A_323, %parallel_loop3A_324] {strides = array<i32>} : memref<4x200x64xf32, #tpu.memory_space<vmem>>, vector<1x1x16xf32>,
        %parallel_loop3A_326 = vector.shape_cast %parallel_loop3A_325 : vector<1x1x16xf32> to vector<16xf32>
        %parallel_loop3A_327 = arith.index_cast %parallel_loop3A_320 : i32 to index
        %parallel_loop3A_328 = arith.constant 0 : index
        %parallel_loop3A_329 = tpu.vector_load %arg8[%parallel_loop3A_327, %parallel_loop3A_328] {strides = array<i32>} : memref<200x64xf32, #tpu.memory_space<vmem>>, vector<1x16xf32>,
        %parallel_loop3A_330 = vector.shape_cast %parallel_loop3A_329 : vector<1x16xf32> to vector<16xf32>
        %parallel_loop3A_331 = arith.addf %parallel_loop3A_326, %parallel_loop3A_330 : vector<16xf32>
        %parallel_loop3A_332 = arith.constant 0 : i32
        %parallel_loop3A_333 = arith.index_cast %parallel_loop3A_332 : i32 to index
        %parallel_loop3A_334 = arith.index_cast %parallel_loop3A_320 : i32 to index
        %parallel_loop3A_335 = arith.constant 0 : index
        %parallel_loop3A_336 = tpu.vector_load %arg7[%parallel_loop3A_333, %parallel_loop3A_334, %parallel_loop3A_335] {strides = array<i32>} : memref<4x200x64xf32, #tpu.memory_space<vmem>>, vector<1x1x16xf32>,
        %parallel_loop3A_337 = vector.shape_cast %parallel_loop3A_336 : vector<1x1x16xf32> to vector<16xf32>
        %parallel_loop3A_338 = vector.shape_cast %parallel_loop3A_331 : vector<16xf32> to vector<1x1x16xf32>
        tpu.vector_store %arg7[%parallel_loop3A_333, %parallel_loop3A_334, %parallel_loop3A_335], %parallel_loop3A_338 {strides = array<i32>} : memref<4x200x64xf32, #tpu.memory_space<vmem>>, vector<1x1x16xf32>,
        %parallel_loop3A_339 = arith.constant 0 : i32
        %parallel_loop3A_340 = arith.index_cast %parallel_loop3A_339 : i32 to index
        %parallel_loop3A_341 = arith.index_cast %parallel_loop3A_320 : i32 to index
        %parallel_loop3A_342 = arith.constant 16 : index
        %parallel_loop3A_343 = tpu.vector_load %arg7[%parallel_loop3A_340, %parallel_loop3A_341, %parallel_loop3A_342] {strides = array<i32>} : memref<4x200x64xf32, #tpu.memory_space<vmem>>, vector<1x1x16xf32>,
        %parallel_loop3A_344 = vector.shape_cast %parallel_loop3A_343 : vector<1x1x16xf32> to vector<16xf32>
        %parallel_loop3A_345 = arith.index_cast %parallel_loop3A_320 : i32 to index
        %parallel_loop3A_346 = arith.constant 16 : index
        %parallel_loop3A_347 = tpu.vector_load %arg8[%parallel_loop3A_345, %parallel_loop3A_346] {strides = array<i32>} : memref<200x64xf32, #tpu.memory_space<vmem>>, vector<1x16xf32>,
        %parallel_loop3A_348 = vector.shape_cast %parallel_loop3A_347 : vector<1x16xf32> to vector<16xf32>
        %parallel_loop3A_349 = arith.addf %parallel_loop3A_344, %parallel_loop3A_348 : vector<16xf32>
        %parallel_loop3A_350 = arith.constant 0 : i32
        %parallel_loop3A_351 = arith.index_cast %parallel_loop3A_350 : i32 to index
        %parallel_loop3A_352 = arith.index_cast %parallel_loop3A_320 : i32 to index
        %parallel_loop3A_353 = arith.constant 16 : index
        %parallel_loop3A_354 = tpu.vector_load %arg7[%parallel_loop3A_351, %parallel_loop3A_352, %parallel_loop3A_353] {strides = array<i32>} : memref<4x200x64xf32, #tpu.memory_space<vmem>>, vector<1x1x16xf32>,
        %parallel_loop3A_355 = vector.shape_cast %parallel_loop3A_354 : vector<1x1x16xf32> to vector<16xf32>
        %parallel_loop3A_356 = vector.shape_cast %parallel_loop3A_349 : vector<16xf32> to vector<1x1x16xf32>
        tpu.vector_store %arg7[%parallel_loop3A_351, %parallel_loop3A_352, %parallel_loop3A_353], %parallel_loop3A_356 {strides = array<i32>} : memref<4x200x64xf32, #tpu.memory_space<vmem>>, vector<1x1x16xf32>,
        %parallel_loop3A_357 = arith.constant 0 : i32
        %parallel_loop3A_358 = arith.index_cast %parallel_loop3A_357 : i32 to index
        %parallel_loop3A_359 = arith.index_cast %parallel_loop3A_320 : i32 to index
        %parallel_loop3A_360 = arith.constant 32 : index
        %parallel_loop3A_361 = tpu.vector_load %arg7[%parallel_loop3A_358, %parallel_loop3A_359, %parallel_loop3A_360] {strides = array<i32>} : memref<4x200x64xf32, #tpu.memory_space<vmem>>, vector<1x1x16xf32>,
        %parallel_loop3A_362 = vector.shape_cast %parallel_loop3A_361 : vector<1x1x16xf32> to vector<16xf32>
        %parallel_loop3A_363 = arith.index_cast %parallel_loop3A_320 : i32 to index
        %parallel_loop3A_364 = arith.constant 32 : index
        %parallel_loop3A_365 = tpu.vector_load %arg8[%parallel_loop3A_363, %parallel_loop3A_364] {strides = array<i32>} : memref<200x64xf32, #tpu.memory_space<vmem>>, vector<1x16xf32>,
        %parallel_loop3A_366 = vector.shape_cast %parallel_loop3A_365 : vector<1x16xf32> to vector<16xf32>
        %parallel_loop3A_367 = arith.addf %parallel_loop3A_362, %parallel_loop3A_366 : vector<16xf32>
        %parallel_loop3A_368 = arith.constant 0 : i32
        %parallel_loop3A_369 = arith.index_cast %parallel_loop3A_368 : i32 to index
        %parallel_loop3A_370 = arith.index_cast %parallel_loop3A_320 : i32 to index
        %parallel_loop3A_371 = arith.constant 32 : index
        %parallel_loop3A_372 = tpu.vector_load %arg7[%parallel_loop3A_369, %parallel_loop3A_370, %parallel_loop3A_371] {strides = array<i32>} : memref<4x200x64xf32, #tpu.memory_space<vmem>>, vector<1x1x16xf32>,
        %parallel_loop3A_373 = vector.shape_cast %parallel_loop3A_372 : vector<1x1x16xf32> to vector<16xf32>
        %parallel_loop3A_374 = vector.shape_cast %parallel_loop3A_367 : vector<16xf32> to vector<1x1x16xf32>
        tpu.vector_store %arg7[%parallel_loop3A_369, %parallel_loop3A_370, %parallel_loop3A_371], %parallel_loop3A_374 {strides = array<i32>} : memref<4x200x64xf32, #tpu.memory_space<vmem>>, vector<1x1x16xf32>,
        %parallel_loop3A_375 = arith.constant 0 : i32
        %parallel_loop3A_376 = arith.index_cast %parallel_loop3A_375 : i32 to index
        %parallel_loop3A_377 = arith.index_cast %parallel_loop3A_320 : i32 to index
        %parallel_loop3A_378 = arith.constant 48 : index
        %parallel_loop3A_379 = tpu.vector_load %arg7[%parallel_loop3A_376, %parallel_loop3A_377, %parallel_loop3A_378] {strides = array<i32>} : memref<4x200x64xf32, #tpu.memory_space<vmem>>, vector<1x1x16xf32>,
        %parallel_loop3A_380 = vector.shape_cast %parallel_loop3A_379 : vector<1x1x16xf32> to vector<16xf32>
        %parallel_loop3A_381 = arith.index_cast %parallel_loop3A_320 : i32 to index
        %parallel_loop3A_382 = arith.constant 48 : index
        %parallel_loop3A_383 = tpu.vector_load %arg8[%parallel_loop3A_381, %parallel_loop3A_382] {strides = array<i32>} : memref<200x64xf32, #tpu.memory_space<vmem>>, vector<1x16xf32>,
        %parallel_loop3A_384 = vector.shape_cast %parallel_loop3A_383 : vector<1x16xf32> to vector<16xf32>
        %parallel_loop3A_385 = arith.addf %parallel_loop3A_380, %parallel_loop3A_384 : vector<16xf32>
        %parallel_loop3A_386 = arith.constant 0 : i32
        %parallel_loop3A_387 = arith.index_cast %parallel_loop3A_386 : i32 to index
        %parallel_loop3A_388 = arith.index_cast %parallel_loop3A_320 : i32 to index
        %parallel_loop3A_389 = arith.constant 48 : index
        %parallel_loop3A_390 = tpu.vector_load %arg7[%parallel_loop3A_387, %parallel_loop3A_388, %parallel_loop3A_389] {strides = array<i32>} : memref<4x200x64xf32, #tpu.memory_space<vmem>>, vector<1x1x16xf32>,
        %parallel_loop3A_391 = vector.shape_cast %parallel_loop3A_390 : vector<1x1x16xf32> to vector<16xf32>
        %parallel_loop3A_392 = vector.shape_cast %parallel_loop3A_385 : vector<16xf32> to vector<1x1x16xf32>
        tpu.vector_store %arg7[%parallel_loop3A_387, %parallel_loop3A_388, %parallel_loop3A_389], %parallel_loop3A_392 {strides = array<i32>} : memref<4x200x64xf32, #tpu.memory_space<vmem>>, vector<1x1x16xf32>,
      } {sc.loop_unroll_factor = 8 : i64, sc.parallel_access}
      %add3A_158 = arith.addi %mul3A_2, %add3A_137 : i32
      %dma_start3A_159 = arith.constant 0 : i32
      %dma_start3A_160 = arith.constant 0 : i32
      %dma_start3A_161 = arith.constant 0 : i32
      %dma_start3A_162 = arith.constant 0 : i32
      %dma_start3A_163 = tpu.memref_slice %arg7[%dma_start3A_159, %dma_start3A_161, %dma_start3A_162] : memref<4x200x64xf32, #tpu.memory_space<vmem>> -> memref<1x200x64xf32, #tpu.memory_space<vmem>>
      %dma_start3A_164 = tpu.memref_squeeze %dma_start3A_163 : memref<1x200x64xf32, #tpu.memory_space<vmem>> -> memref<200x64xf32, #tpu.memory_space<vmem>>
      %dma_start3A_165 = arith.constant 0 : i32
      %dma_start3A_166 = arith.constant 0 : i32
      %dma_start3A_167 = tpu.memref_slice %arg5[%add3A_158, %dma_start3A_165, %dma_start3A_166] : memref<4096x200x64xf32, #tpu.memory_space<hbm>> -> memref<1x200x64xf32, #tpu.memory_space<hbm>>
      %dma_start3A_168 = tpu.memref_squeeze %dma_start3A_167 : memref<1x200x64xf32, #tpu.memory_space<hbm>> -> memref<200x64xf32, #tpu.memory_space<hbm>>
      %dma_start3A_169 = tpu.memref_slice %arg11[%dma_start3A_160] : memref<4x!tpu.dma_semaphore, #tpu.memory_space<semaphore_mem>> -> memref<1x!tpu.dma_semaphore, #tpu.memory_space<semaphore_mem>>
      %dma_start3A_170 = tpu.memref_squeeze %dma_start3A_169 : memref<1x!tpu.dma_semaphore, #tpu.memory_space<semaphore_mem>> -> memref<!tpu.dma_semaphore, #tpu.memory_space<semaphore_mem>>
      %dma_start3A_171 = arith.constant 0 : i32
      %dma_start3A_172 = arith.constant 0 : i32
      %dma_start3A_173 = tpu.memref_slice %arg5[%add3A_158, %dma_start3A_171, %dma_start3A_172] : memref<4096x200x64xf32, #tpu.memory_space<hbm>> -> memref<1x200x64xf32, #tpu.memory_space<hbm>>
      %dma_start3A_174 = tpu.memref_squeeze %dma_start3A_173 : memref<1x200x64xf32, #tpu.memory_space<hbm>> -> memref<200x64xf32, #tpu.memory_space<hbm>>
      %dma_start3A_175 = arith.constant 0 : i32
      %dma_start3A_176 = arith.constant 0 : i32
      %dma_start3A_177 = tpu.memref_slice %arg7[%dma_start3A_159, %dma_start3A_175, %dma_start3A_176] : memref<4x200x64xf32, #tpu.memory_space<vmem>> -> memref<1x200x64xf32, #tpu.memory_space<vmem>>
      %dma_start3A_178 = tpu.memref_squeeze %dma_start3A_177 : memref<1x200x64xf32, #tpu.memory_space<vmem>> -> memref<200x64xf32, #tpu.memory_space<vmem>>
      tpu.enqueue_dma source(%dma_start3A_178 : memref<200x64xf32, #tpu.memory_space<vmem>>) target(%dma_start3A_174 : memref<200x64xf32, #tpu.memory_space<hbm>>) target_semaphore(%dma_start3A_170 : memref<!tpu.dma_semaphore, #tpu.memory_space<semaphore_mem>>)
      %add3A_179 = arith.constant 1 : i32
      %add3A_180 = arith.addi %add3A_135, %add3A_179 : i32
      %add3A_181 = arith.constant 2 : i32
      %add3A_182 = arith.addi %add3A_180, %add3A_181 : i32
      %lt3A_183 = arith.constant 128 : i32
      %lt3A_184 = arith.cmpi slt, %add3A_182, %lt3A_183 : i32
      %convert_element_type3A_185 = arith.extui %lt3A_184 : i1 to i32
      %cond3A_186 = arith.constant 0 : i32
      %cond3A_187 = arith.cmpi ne, %convert_element_type3A_185, %cond3A_186 : i32
      scf.if %cond3A_187 {
        %ge3A = arith.constant 2 : i32
        %ge3A_320 = arith.cmpi sge, %add3A_180, %ge3A : i32
        %convert_element_type3A_321 = arith.extui %ge3A_320 : i1 to i32
        %cond3A_322 = arith.constant 0 : i32
        %cond3A_323 = arith.cmpi ne, %convert_element_type3A_321, %cond3A_322 : i32
        scf.if %cond3A_323 {
          %sub3A = arith.constant 2 : i32
          %sub3A_340 = arith.subi %add3A_180, %sub3A : i32
          %add3A_341 = arith.addi %mul3A_2, %sub3A_340 : i32
          %dma_wait3A_342 = arith.constant 3 : i32
          %dma_wait3A_343 = arith.constant 3 : i32
          %dma_wait3A_344 = arith.constant 0 : i32
          %dma_wait3A_345 = arith.constant 0 : i32
          %dma_wait3A_346 = tpu.memref_slice %arg7[%dma_wait3A_342, %dma_wait3A_344, %dma_wait3A_345] : memref<4x200x64xf32, #tpu.memory_space<vmem>> -> memref<1x200x64xf32, #tpu.memory_space<vmem>>
          %dma_wait3A_347 = tpu.memref_squeeze %dma_wait3A_346 : memref<1x200x64xf32, #tpu.memory_space<vmem>> -> memref<200x64xf32, #tpu.memory_space<vmem>>
          %dma_wait3A_348 = arith.constant 0 : i32
          %dma_wait3A_349 = arith.constant 0 : i32
          %dma_wait3A_350 = tpu.memref_slice %arg5[%add3A_341, %dma_wait3A_348, %dma_wait3A_349] : memref<4096x200x64xf32, #tpu.memory_space<hbm>> -> memref<1x200x64xf32, #tpu.memory_space<hbm>>
          %dma_wait3A_351 = tpu.memref_squeeze %dma_wait3A_350 : memref<1x200x64xf32, #tpu.memory_space<hbm>> -> memref<200x64xf32, #tpu.memory_space<hbm>>
          %dma_wait3A_352 = tpu.memref_slice %arg11[%dma_wait3A_343] : memref<4x!tpu.dma_semaphore, #tpu.memory_space<semaphore_mem>> -> memref<1x!tpu.dma_semaphore, #tpu.memory_space<semaphore_mem>>
          %dma_wait3A_353 = tpu.memref_squeeze %dma_wait3A_352 : memref<1x!tpu.dma_semaphore, #tpu.memory_space<semaphore_mem>> -> memref<!tpu.dma_semaphore, #tpu.memory_space<semaphore_mem>>
          %dma_wait3A_354 = arith.constant 0 : i32
          %dma_wait3A_355 = arith.constant 0 : i32
          %dma_wait3A_356 = tpu.memref_slice %arg5[%add3A_341, %dma_wait3A_354, %dma_wait3A_355] : memref<4096x200x64xf32, #tpu.memory_space<hbm>> -> memref<1x200x64xf32, #tpu.memory_space<hbm>>
          %dma_wait3A_357 = tpu.memref_squeeze %dma_wait3A_356 : memref<1x200x64xf32, #tpu.memory_space<hbm>> -> memref<200x64xf32, #tpu.memory_space<hbm>>
          %dma_wait3A_358 = arith.constant 0 : i32
          %dma_wait3A_359 = arith.constant 0 : i32
          %dma_wait3A_360 = tpu.memref_slice %arg7[%dma_wait3A_342, %dma_wait3A_358, %dma_wait3A_359] : memref<4x200x64xf32, #tpu.memory_space<vmem>> -> memref<1x200x64xf32, #tpu.memory_space<vmem>>
          %dma_wait3A_361 = tpu.memref_squeeze %dma_wait3A_360 : memref<1x200x64xf32, #tpu.memory_space<vmem>> -> memref<200x64xf32, #tpu.memory_space<vmem>>
          tpu.wait_dma2 semaphore(%dma_wait3A_353 : memref<!tpu.dma_semaphore, #tpu.memory_space<semaphore_mem>>) src(%dma_wait3A_361 : memref<200x64xf32, #tpu.memory_space<vmem>>) dst(%dma_wait3A_357 : memref<200x64xf32, #tpu.memory_space<hbm>>)
        } else {
        }
        %add3A_324 = arith.constant 2 : i32
        %add3A_325 = arith.addi %add3A_180, %add3A_324 : i32
        %dma_start3A_326 = arith.constant 3 : i32
        %dma_start3A_327 = arith.constant 3 : i32
        %dma_start3A_328 = arith.constant 0 : i32
        %dma_start3A_329 = arith.constant 0 : i32
        %dma_start3A_330 = tpu.memref_slice %arg7[%dma_start3A_326, %dma_start3A_328, %dma_start3A_329] : memref<4x200x64xf32, #tpu.memory_space<vmem>> -> memref<1x200x64xf32, #tpu.memory_space<vmem>>
        %dma_start3A_331 = tpu.memref_squeeze %dma_start3A_330 : memref<1x200x64xf32, #tpu.memory_space<vmem>> -> memref<200x64xf32, #tpu.memory_space<vmem>>
        %dma_start3A_332 = arith.constant 0 : i32
        %dma_start3A_333 = tpu.memref_slice %arg6[%add3A_325, %dma_start3A_332] : memref<128x200xi32, #tpu.memory_space<vmem>> -> memref<1x200xi32, #tpu.memory_space<vmem>>
        %dma_start3A_334 = tpu.memref_squeeze %dma_start3A_333 : memref<1x200xi32, #tpu.memory_space<vmem>> -> memref<200xi32, #tpu.memory_space<vmem>>
        %dma_start3A_335 = arith.constant 0 : i32
        %dma_start3A_336 = arith.constant 0 : i32
        %dma_start3A_337 = tpu.memref_slice %arg2[%dma_start3A_335, %dma_start3A_336] : memref<1000000x64xf32, #tpu.memory_space<hbm>> -> memref<1000000x64xf32, #tpu.memory_space<hbm>>
        %dma_start3A_338 = tpu.memref_slice %arg10[%dma_start3A_327] : memref<4x!tpu.dma_semaphore, #tpu.memory_space<semaphore_mem>> -> memref<1x!tpu.dma_semaphore, #tpu.memory_space<semaphore_mem>>
        %dma_start3A_339 = tpu.memref_squeeze %dma_start3A_338 : memref<1x!tpu.dma_semaphore, #tpu.memory_space<semaphore_mem>> -> memref<!tpu.dma_semaphore, #tpu.memory_space<semaphore_mem>>
        tpu.enqueue_indirect_dma source(%dma_start3A_337 : memref<1000000x64xf32, #tpu.memory_space<hbm>>) target(%dma_start3A_331 : memref<200x64xf32, #tpu.memory_space<vmem>>) offsets(%dma_start3A_334 : memref<200xi32, #tpu.memory_space<vmem>>) semaphore(%dma_start3A_339 : memref<!tpu.dma_semaphore, #tpu.memory_space<semaphore_mem>>)
      } else {
      }
      %dma_wait3A_188 = arith.constant 1 : i32
      %dma_wait3A_189 = arith.constant 1 : i32
      %dma_wait3A_190 = arith.constant 0 : i32
      %dma_wait3A_191 = arith.constant 0 : i32
      %dma_wait3A_192 = tpu.memref_slice %arg7[%dma_wait3A_188, %dma_wait3A_190, %dma_wait3A_191] : memref<4x200x64xf32, #tpu.memory_space<vmem>> -> memref<1x200x64xf32, #tpu.memory_space<vmem>>
      %dma_wait3A_193 = tpu.memref_squeeze %dma_wait3A_192 : memref<1x200x64xf32, #tpu.memory_space<vmem>> -> memref<200x64xf32, #tpu.memory_space<vmem>>
      %dma_wait3A_194 = arith.constant 0 : i32
      %dma_wait3A_195 = tpu.memref_slice %arg6[%add3A_180, %dma_wait3A_194] : memref<128x200xi32, #tpu.memory_space<vmem>> -> memref<1x200xi32, #tpu.memory_space<vmem>>
      %dma_wait3A_196 = tpu.memref_squeeze %dma_wait3A_195 : memref<1x200xi32, #tpu.memory_space<vmem>> -> memref<200xi32, #tpu.memory_space<vmem>>
      %dma_wait3A_197 = arith.constant 0 : i32
      %dma_wait3A_198 = arith.constant 0 : i32
      %dma_wait3A_199 = tpu.memref_slice %arg2[%dma_wait3A_197, %dma_wait3A_198] : memref<1000000x64xf32, #tpu.memory_space<hbm>> -> memref<1000000x64xf32, #tpu.memory_space<hbm>>
      %dma_wait3A_200 = tpu.memref_slice %arg10[%dma_wait3A_189] : memref<4x!tpu.dma_semaphore, #tpu.memory_space<semaphore_mem>> -> memref<1x!tpu.dma_semaphore, #tpu.memory_space<semaphore_mem>>
      %dma_wait3A_201 = tpu.memref_squeeze %dma_wait3A_200 : memref<1x!tpu.dma_semaphore, #tpu.memory_space<semaphore_mem>> -> memref<!tpu.dma_semaphore, #tpu.memory_space<semaphore_mem>>
      tpu.wait_indirect_dma semaphore(%dma_wait3A_201 : memref<!tpu.dma_semaphore, #tpu.memory_space<semaphore_mem>>) src(%dma_wait3A_199 : memref<1000000x64xf32, #tpu.memory_space<hbm>>) dst(%dma_wait3A_193 : memref<200x64xf32, #tpu.memory_space<vmem>>)
      %parallel_loop3A_202 = arith.constant 0 : i32
      %parallel_loop3A_203 = arith.constant 200 : i32
      %parallel_loop3A_204 = arith.constant 1 : i32
      scf.for %parallel_loop3A_320 = %parallel_loop3A_202 to %parallel_loop3A_203 step %parallel_loop3A_204  : i32 {
        %parallel_loop3A_321 = arith.constant 1 : i32
        %parallel_loop3A_322 = arith.index_cast %parallel_loop3A_321 : i32 to index
        %parallel_loop3A_323 = arith.index_cast %parallel_loop3A_320 : i32 to index
        %parallel_loop3A_324 = arith.constant 0 : index
        %parallel_loop3A_325 = tpu.vector_load %arg7[%parallel_loop3A_322, %parallel_loop3A_323, %parallel_loop3A_324] {strides = array<i32>} : memref<4x200x64xf32, #tpu.memory_space<vmem>>, vector<1x1x16xf32>,
        %parallel_loop3A_326 = vector.shape_cast %parallel_loop3A_325 : vector<1x1x16xf32> to vector<16xf32>
        %parallel_loop3A_327 = arith.index_cast %parallel_loop3A_320 : i32 to index
        %parallel_loop3A_328 = arith.constant 0 : index
        %parallel_loop3A_329 = tpu.vector_load %arg8[%parallel_loop3A_327, %parallel_loop3A_328] {strides = array<i32>} : memref<200x64xf32, #tpu.memory_space<vmem>>, vector<1x16xf32>,
        %parallel_loop3A_330 = vector.shape_cast %parallel_loop3A_329 : vector<1x16xf32> to vector<16xf32>
        %parallel_loop3A_331 = arith.addf %parallel_loop3A_326, %parallel_loop3A_330 : vector<16xf32>
        %parallel_loop3A_332 = arith.constant 1 : i32
        %parallel_loop3A_333 = arith.index_cast %parallel_loop3A_332 : i32 to index
        %parallel_loop3A_334 = arith.index_cast %parallel_loop3A_320 : i32 to index
        %parallel_loop3A_335 = arith.constant 0 : index
        %parallel_loop3A_336 = tpu.vector_load %arg7[%parallel_loop3A_333, %parallel_loop3A_334, %parallel_loop3A_335] {strides = array<i32>} : memref<4x200x64xf32, #tpu.memory_space<vmem>>, vector<1x1x16xf32>,
        %parallel_loop3A_337 = vector.shape_cast %parallel_loop3A_336 : vector<1x1x16xf32> to vector<16xf32>
        %parallel_loop3A_338 = vector.shape_cast %parallel_loop3A_331 : vector<16xf32> to vector<1x1x16xf32>
        tpu.vector_store %arg7[%parallel_loop3A_333, %parallel_loop3A_334, %parallel_loop3A_335], %parallel_loop3A_338 {strides = array<i32>} : memref<4x200x64xf32, #tpu.memory_space<vmem>>, vector<1x1x16xf32>,
        %parallel_loop3A_339 = arith.constant 1 : i32
        %parallel_loop3A_340 = arith.index_cast %parallel_loop3A_339 : i32 to index
        %parallel_loop3A_341 = arith.index_cast %parallel_loop3A_320 : i32 to index
        %parallel_loop3A_342 = arith.constant 16 : index
        %parallel_loop3A_343 = tpu.vector_load %arg7[%parallel_loop3A_340, %parallel_loop3A_341, %parallel_loop3A_342] {strides = array<i32>} : memref<4x200x64xf32, #tpu.memory_space<vmem>>, vector<1x1x16xf32>,
        %parallel_loop3A_344 = vector.shape_cast %parallel_loop3A_343 : vector<1x1x16xf32> to vector<16xf32>
        %parallel_loop3A_345 = arith.index_cast %parallel_loop3A_320 : i32 to index
        %parallel_loop3A_346 = arith.constant 16 : index
        %parallel_loop3A_347 = tpu.vector_load %arg8[%parallel_loop3A_345, %parallel_loop3A_346] {strides = array<i32>} : memref<200x64xf32, #tpu.memory_space<vmem>>, vector<1x16xf32>,
        %parallel_loop3A_348 = vector.shape_cast %parallel_loop3A_347 : vector<1x16xf32> to vector<16xf32>
        %parallel_loop3A_349 = arith.addf %parallel_loop3A_344, %parallel_loop3A_348 : vector<16xf32>
        %parallel_loop3A_350 = arith.constant 1 : i32
        %parallel_loop3A_351 = arith.index_cast %parallel_loop3A_350 : i32 to index
        %parallel_loop3A_352 = arith.index_cast %parallel_loop3A_320 : i32 to index
        %parallel_loop3A_353 = arith.constant 16 : index
        %parallel_loop3A_354 = tpu.vector_load %arg7[%parallel_loop3A_351, %parallel_loop3A_352, %parallel_loop3A_353] {strides = array<i32>} : memref<4x200x64xf32, #tpu.memory_space<vmem>>, vector<1x1x16xf32>,
        %parallel_loop3A_355 = vector.shape_cast %parallel_loop3A_354 : vector<1x1x16xf32> to vector<16xf32>
        %parallel_loop3A_356 = vector.shape_cast %parallel_loop3A_349 : vector<16xf32> to vector<1x1x16xf32>
        tpu.vector_store %arg7[%parallel_loop3A_351, %parallel_loop3A_352, %parallel_loop3A_353], %parallel_loop3A_356 {strides = array<i32>} : memref<4x200x64xf32, #tpu.memory_space<vmem>>, vector<1x1x16xf32>,
        %parallel_loop3A_357 = arith.constant 1 : i32
        %parallel_loop3A_358 = arith.index_cast %parallel_loop3A_357 : i32 to index
        %parallel_loop3A_359 = arith.index_cast %parallel_loop3A_320 : i32 to index
        %parallel_loop3A_360 = arith.constant 32 : index
        %parallel_loop3A_361 = tpu.vector_load %arg7[%parallel_loop3A_358, %parallel_loop3A_359, %parallel_loop3A_360] {strides = array<i32>} : memref<4x200x64xf32, #tpu.memory_space<vmem>>, vector<1x1x16xf32>,
        %parallel_loop3A_362 = vector.shape_cast %parallel_loop3A_361 : vector<1x1x16xf32> to vector<16xf32>
        %parallel_loop3A_363 = arith.index_cast %parallel_loop3A_320 : i32 to index
        %parallel_loop3A_364 = arith.constant 32 : index
        %parallel_loop3A_365 = tpu.vector_load %arg8[%parallel_loop3A_363, %parallel_loop3A_364] {strides = array<i32>} : memref<200x64xf32, #tpu.memory_space<vmem>>, vector<1x16xf32>,
        %parallel_loop3A_366 = vector.shape_cast %parallel_loop3A_365 : vector<1x16xf32> to vector<16xf32>
        %parallel_loop3A_367 = arith.addf %parallel_loop3A_362, %parallel_loop3A_366 : vector<16xf32>
        %parallel_loop3A_368 = arith.constant 1 : i32
        %parallel_loop3A_369 = arith.index_cast %parallel_loop3A_368 : i32 to index
        %parallel_loop3A_370 = arith.index_cast %parallel_loop3A_320 : i32 to index
        %parallel_loop3A_371 = arith.constant 32 : index
        %parallel_loop3A_372 = tpu.vector_load %arg7[%parallel_loop3A_369, %parallel_loop3A_370, %parallel_loop3A_371] {strides = array<i32>} : memref<4x200x64xf32, #tpu.memory_space<vmem>>, vector<1x1x16xf32>,
        %parallel_loop3A_373 = vector.shape_cast %parallel_loop3A_372 : vector<1x1x16xf32> to vector<16xf32>
        %parallel_loop3A_374 = vector.shape_cast %parallel_loop3A_367 : vector<16xf32> to vector<1x1x16xf32>
        tpu.vector_store %arg7[%parallel_loop3A_369, %parallel_loop3A_370, %parallel_loop3A_371], %parallel_loop3A_374 {strides = array<i32>} : memref<4x200x64xf32, #tpu.memory_space<vmem>>, vector<1x1x16xf32>,
        %parallel_loop3A_375 = arith.constant 1 : i32
        %parallel_loop3A_376 = arith.index_cast %parallel_loop3A_375 : i32 to index
        %parallel_loop3A_377 = arith.index_cast %parallel_loop3A_320 : i32 to index
        %parallel_loop3A_378 = arith.constant 48 : index
        %parallel_loop3A_379 = tpu.vector_load %arg7[%parallel_loop3A_376, %parallel_loop3A_377, %parallel_loop3A_378] {strides = array<i32>} : memref<4x200x64xf32, #tpu.memory_space<vmem>>, vector<1x1x16xf32>,
        %parallel_loop3A_380 = vector.shape_cast %parallel_loop3A_379 : vector<1x1x16xf32> to vector<16xf32>
        %parallel_loop3A_381 = arith.index_cast %parallel_loop3A_320 : i32 to index
        %parallel_loop3A_382 = arith.constant 48 : index
        %parallel_loop3A_383 = tpu.vector_load %arg8[%parallel_loop3A_381, %parallel_loop3A_382] {strides = array<i32>} : memref<200x64xf32, #tpu.memory_space<vmem>>, vector<1x16xf32>,
        %parallel_loop3A_384 = vector.shape_cast %parallel_loop3A_383 : vector<1x16xf32> to vector<16xf32>
        %parallel_loop3A_385 = arith.addf %parallel_loop3A_380, %parallel_loop3A_384 : vector<16xf32>
        %parallel_loop3A_386 = arith.constant 1 : i32
        %parallel_loop3A_387 = arith.index_cast %parallel_loop3A_386 : i32 to index
        %parallel_loop3A_388 = arith.index_cast %parallel_loop3A_320 : i32 to index
        %parallel_loop3A_389 = arith.constant 48 : index
        %parallel_loop3A_390 = tpu.vector_load %arg7[%parallel_loop3A_387, %parallel_loop3A_388, %parallel_loop3A_389] {strides = array<i32>} : memref<4x200x64xf32, #tpu.memory_space<vmem>>, vector<1x1x16xf32>,
        %parallel_loop3A_391 = vector.shape_cast %parallel_loop3A_390 : vector<1x1x16xf32> to vector<16xf32>
        %parallel_loop3A_392 = vector.shape_cast %parallel_loop3A_385 : vector<16xf32> to vector<1x1x16xf32>
        tpu.vector_store %arg7[%parallel_loop3A_387, %parallel_loop3A_388, %parallel_loop3A_389], %parallel_loop3A_392 {strides = array<i32>} : memref<4x200x64xf32, #tpu.memory_space<vmem>>, vector<1x1x16xf32>,
      } {sc.loop_unroll_factor = 8 : i64, sc.parallel_access}
      %add3A_205 = arith.addi %mul3A_2, %add3A_180 : i32
      %dma_start3A_206 = arith.constant 1 : i32
      %dma_start3A_207 = arith.constant 1 : i32
      %dma_start3A_208 = arith.constant 0 : i32
      %dma_start3A_209 = arith.constant 0 : i32
      %dma_start3A_210 = tpu.memref_slice %arg7[%dma_start3A_206, %dma_start3A_208, %dma_start3A_209] : memref<4x200x64xf32, #tpu.memory_space<vmem>> -> memref<1x200x64xf32, #tpu.memory_space<vmem>>
      %dma_start3A_211 = tpu.memref_squeeze %dma_start3A_210 : memref<1x200x64xf32, #tpu.memory_space<vmem>> -> memref<200x64xf32, #tpu.memory_space<vmem>>
      %dma_start3A_212 = arith.constant 0 : i32
      %dma_start3A_213 = arith.constant 0 : i32
      %dma_start3A_214 = tpu.memref_slice %arg5[%add3A_205, %dma_start3A_212, %dma_start3A_213] : memref<4096x200x64xf32, #tpu.memory_space<hbm>> -> memref<1x200x64xf32, #tpu.memory_space<hbm>>
      %dma_start3A_215 = tpu.memref_squeeze %dma_start3A_214 : memref<1x200x64xf32, #tpu.memory_space<hbm>> -> memref<200x64xf32, #tpu.memory_space<hbm>>
      %dma_start3A_216 = tpu.memref_slice %arg11[%dma_start3A_207] : memref<4x!tpu.dma_semaphore, #tpu.memory_space<semaphore_mem>> -> memref<1x!tpu.dma_semaphore, #tpu.memory_space<semaphore_mem>>
      %dma_start3A_217 = tpu.memref_squeeze %dma_start3A_216 : memref<1x!tpu.dma_semaphore, #tpu.memory_space<semaphore_mem>> -> memref<!tpu.dma_semaphore, #tpu.memory_space<semaphore_mem>>
      %dma_start3A_218 = arith.constant 0 : i32
      %dma_start3A_219 = arith.constant 0 : i32
      %dma_start3A_220 = tpu.memref_slice %arg5[%add3A_205, %dma_start3A_218, %dma_start3A_219] : memref<4096x200x64xf32, #tpu.memory_space<hbm>> -> memref<1x200x64xf32, #tpu.memory_space<hbm>>
      %dma_start3A_221 = tpu.memref_squeeze %dma_start3A_220 : memref<1x200x64xf32, #tpu.memory_space<hbm>> -> memref<200x64xf32, #tpu.memory_space<hbm>>
      %dma_start3A_222 = arith.constant 0 : i32
      %dma_start3A_223 = arith.constant 0 : i32
      %dma_start3A_224 = tpu.memref_slice %arg7[%dma_start3A_206, %dma_start3A_222, %dma_start3A_223] : memref<4x200x64xf32, #tpu.memory_space<vmem>> -> memref<1x200x64xf32, #tpu.memory_space<vmem>>
      %dma_start3A_225 = tpu.memref_squeeze %dma_start3A_224 : memref<1x200x64xf32, #tpu.memory_space<vmem>> -> memref<200x64xf32, #tpu.memory_space<vmem>>
      tpu.enqueue_dma source(%dma_start3A_225 : memref<200x64xf32, #tpu.memory_space<vmem>>) target(%dma_start3A_221 : memref<200x64xf32, #tpu.memory_space<hbm>>) target_semaphore(%dma_start3A_217 : memref<!tpu.dma_semaphore, #tpu.memory_space<semaphore_mem>>)
      %add3A_226 = arith.constant 2 : i32
      %add3A_227 = arith.addi %add3A_135, %add3A_226 : i32
      %add3A_228 = arith.constant 2 : i32
      %add3A_229 = arith.addi %add3A_227, %add3A_228 : i32
      %lt3A_230 = arith.constant 128 : i32
      %lt3A_231 = arith.cmpi slt, %add3A_229, %lt3A_230 : i32
      %convert_element_type3A_232 = arith.extui %lt3A_231 : i1 to i32
      %cond3A_233 = arith.constant 0 : i32
      %cond3A_234 = arith.cmpi ne, %convert_element_type3A_232, %cond3A_233 : i32
      scf.if %cond3A_234 {
        %ge3A = arith.constant 2 : i32
        %ge3A_320 = arith.cmpi sge, %add3A_227, %ge3A : i32
        %convert_element_type3A_321 = arith.extui %ge3A_320 : i1 to i32
        %cond3A_322 = arith.constant 0 : i32
        %cond3A_323 = arith.cmpi ne, %convert_element_type3A_321, %cond3A_322 : i32
        scf.if %cond3A_323 {
          %sub3A = arith.constant 2 : i32
          %sub3A_340 = arith.subi %add3A_227, %sub3A : i32
          %add3A_341 = arith.addi %mul3A_2, %sub3A_340 : i32
          %dma_wait3A_342 = arith.constant 0 : i32
          %dma_wait3A_343 = arith.constant 0 : i32
          %dma_wait3A_344 = arith.constant 0 : i32
          %dma_wait3A_345 = arith.constant 0 : i32
          %dma_wait3A_346 = tpu.memref_slice %arg7[%dma_wait3A_342, %dma_wait3A_344, %dma_wait3A_345] : memref<4x200x64xf32, #tpu.memory_space<vmem>> -> memref<1x200x64xf32, #tpu.memory_space<vmem>>
          %dma_wait3A_347 = tpu.memref_squeeze %dma_wait3A_346 : memref<1x200x64xf32, #tpu.memory_space<vmem>> -> memref<200x64xf32, #tpu.memory_space<vmem>>
          %dma_wait3A_348 = arith.constant 0 : i32
          %dma_wait3A_349 = arith.constant 0 : i32
          %dma_wait3A_350 = tpu.memref_slice %arg5[%add3A_341, %dma_wait3A_348, %dma_wait3A_349] : memref<4096x200x64xf32, #tpu.memory_space<hbm>> -> memref<1x200x64xf32, #tpu.memory_space<hbm>>
          %dma_wait3A_351 = tpu.memref_squeeze %dma_wait3A_350 : memref<1x200x64xf32, #tpu.memory_space<hbm>> -> memref<200x64xf32, #tpu.memory_space<hbm>>
          %dma_wait3A_352 = tpu.memref_slice %arg11[%dma_wait3A_343] : memref<4x!tpu.dma_semaphore, #tpu.memory_space<semaphore_mem>> -> memref<1x!tpu.dma_semaphore, #tpu.memory_space<semaphore_mem>>
          %dma_wait3A_353 = tpu.memref_squeeze %dma_wait3A_352 : memref<1x!tpu.dma_semaphore, #tpu.memory_space<semaphore_mem>> -> memref<!tpu.dma_semaphore, #tpu.memory_space<semaphore_mem>>
          %dma_wait3A_354 = arith.constant 0 : i32
          %dma_wait3A_355 = arith.constant 0 : i32
          %dma_wait3A_356 = tpu.memref_slice %arg5[%add3A_341, %dma_wait3A_354, %dma_wait3A_355] : memref<4096x200x64xf32, #tpu.memory_space<hbm>> -> memref<1x200x64xf32, #tpu.memory_space<hbm>>
          %dma_wait3A_357 = tpu.memref_squeeze %dma_wait3A_356 : memref<1x200x64xf32, #tpu.memory_space<hbm>> -> memref<200x64xf32, #tpu.memory_space<hbm>>
          %dma_wait3A_358 = arith.constant 0 : i32
          %dma_wait3A_359 = arith.constant 0 : i32
          %dma_wait3A_360 = tpu.memref_slice %arg7[%dma_wait3A_342, %dma_wait3A_358, %dma_wait3A_359] : memref<4x200x64xf32, #tpu.memory_space<vmem>> -> memref<1x200x64xf32, #tpu.memory_space<vmem>>
          %dma_wait3A_361 = tpu.memref_squeeze %dma_wait3A_360 : memref<1x200x64xf32, #tpu.memory_space<vmem>> -> memref<200x64xf32, #tpu.memory_space<vmem>>
          tpu.wait_dma2 semaphore(%dma_wait3A_353 : memref<!tpu.dma_semaphore, #tpu.memory_space<semaphore_mem>>) src(%dma_wait3A_361 : memref<200x64xf32, #tpu.memory_space<vmem>>) dst(%dma_wait3A_357 : memref<200x64xf32, #tpu.memory_space<hbm>>)
        } else {
        }
        %add3A_324 = arith.constant 2 : i32
        %add3A_325 = arith.addi %add3A_227, %add3A_324 : i32
        %dma_start3A_326 = arith.constant 0 : i32
        %dma_start3A_327 = arith.constant 0 : i32
        %dma_start3A_328 = arith.constant 0 : i32
        %dma_start3A_329 = arith.constant 0 : i32
        %dma_start3A_330 = tpu.memref_slice %arg7[%dma_start3A_326, %dma_start3A_328, %dma_start3A_329] : memref<4x200x64xf32, #tpu.memory_space<vmem>> -> memref<1x200x64xf32, #tpu.memory_space<vmem>>
        %dma_start3A_331 = tpu.memref_squeeze %dma_start3A_330 : memref<1x200x64xf32, #tpu.memory_space<vmem>> -> memref<200x64xf32, #tpu.memory_space<vmem>>
        %dma_start3A_332 = arith.constant 0 : i32
        %dma_start3A_333 = tpu.memref_slice %arg6[%add3A_325, %dma_start3A_332] : memref<128x200xi32, #tpu.memory_space<vmem>> -> memref<1x200xi32, #tpu.memory_space<vmem>>
        %dma_start3A_334 = tpu.memref_squeeze %dma_start3A_333 : memref<1x200xi32, #tpu.memory_space<vmem>> -> memref<200xi32, #tpu.memory_space<vmem>>
        %dma_start3A_335 = arith.constant 0 : i32
        %dma_start3A_336 = arith.constant 0 : i32
        %dma_start3A_337 = tpu.memref_slice %arg2[%dma_start3A_335, %dma_start3A_336] : memref<1000000x64xf32, #tpu.memory_space<hbm>> -> memref<1000000x64xf32, #tpu.memory_space<hbm>>
        %dma_start3A_338 = tpu.memref_slice %arg10[%dma_start3A_327] : memref<4x!tpu.dma_semaphore, #tpu.memory_space<semaphore_mem>> -> memref<1x!tpu.dma_semaphore, #tpu.memory_space<semaphore_mem>>
        %dma_start3A_339 = tpu.memref_squeeze %dma_start3A_338 : memref<1x!tpu.dma_semaphore, #tpu.memory_space<semaphore_mem>> -> memref<!tpu.dma_semaphore, #tpu.memory_space<semaphore_mem>>
        tpu.enqueue_indirect_dma source(%dma_start3A_337 : memref<1000000x64xf32, #tpu.memory_space<hbm>>) target(%dma_start3A_331 : memref<200x64xf32, #tpu.memory_space<vmem>>) offsets(%dma_start3A_334 : memref<200xi32, #tpu.memory_space<vmem>>) semaphore(%dma_start3A_339 : memref<!tpu.dma_semaphore, #tpu.memory_space<semaphore_mem>>)
      } else {
      }
      %dma_wait3A_235 = arith.constant 2 : i32
      %dma_wait3A_236 = arith.constant 2 : i32
      %dma_wait3A_237 = arith.constant 0 : i32
      %dma_wait3A_238 = arith.constant 0 : i32
      %dma_wait3A_239 = tpu.memref_slice %arg7[%dma_wait3A_235, %dma_wait3A_237, %dma_wait3A_238] : memref<4x200x64xf32, #tpu.memory_space<vmem>> -> memref<1x200x64xf32, #tpu.memory_space<vmem>>
      %dma_wait3A_240 = tpu.memref_squeeze %dma_wait3A_239 : memref<1x200x64xf32, #tpu.memory_space<vmem>> -> memref<200x64xf32, #tpu.memory_space<vmem>>
      %dma_wait3A_241 = arith.constant 0 : i32
      %dma_wait3A_242 = tpu.memref_slice %arg6[%add3A_227, %dma_wait3A_241] : memref<128x200xi32, #tpu.memory_space<vmem>> -> memref<1x200xi32, #tpu.memory_space<vmem>>
      %dma_wait3A_243 = tpu.memref_squeeze %dma_wait3A_242 : memref<1x200xi32, #tpu.memory_space<vmem>> -> memref<200xi32, #tpu.memory_space<vmem>>
      %dma_wait3A_244 = arith.constant 0 : i32
      %dma_wait3A_245 = arith.constant 0 : i32
      %dma_wait3A_246 = tpu.memref_slice %arg2[%dma_wait3A_244, %dma_wait3A_245] : memref<1000000x64xf32, #tpu.memory_space<hbm>> -> memref<1000000x64xf32, #tpu.memory_space<hbm>>
      %dma_wait3A_247 = tpu.memref_slice %arg10[%dma_wait3A_236] : memref<4x!tpu.dma_semaphore, #tpu.memory_space<semaphore_mem>> -> memref<1x!tpu.dma_semaphore, #tpu.memory_space<semaphore_mem>>
      %dma_wait3A_248 = tpu.memref_squeeze %dma_wait3A_247 : memref<1x!tpu.dma_semaphore, #tpu.memory_space<semaphore_mem>> -> memref<!tpu.dma_semaphore, #tpu.memory_space<semaphore_mem>>
      tpu.wait_indirect_dma semaphore(%dma_wait3A_248 : memref<!tpu.dma_semaphore, #tpu.memory_space<semaphore_mem>>) src(%dma_wait3A_246 : memref<1000000x64xf32, #tpu.memory_space<hbm>>) dst(%dma_wait3A_240 : memref<200x64xf32, #tpu.memory_space<vmem>>)
      %parallel_loop3A_249 = arith.constant 0 : i32
      %parallel_loop3A_250 = arith.constant 200 : i32
      %parallel_loop3A_251 = arith.constant 1 : i32
      scf.for %parallel_loop3A_320 = %parallel_loop3A_249 to %parallel_loop3A_250 step %parallel_loop3A_251  : i32 {
        %parallel_loop3A_321 = arith.constant 2 : i32
        %parallel_loop3A_322 = arith.index_cast %parallel_loop3A_321 : i32 to index
        %parallel_loop3A_323 = arith.index_cast %parallel_loop3A_320 : i32 to index
        %parallel_loop3A_324 = arith.constant 0 : index
        %parallel_loop3A_325 = tpu.vector_load %arg7[%parallel_loop3A_322, %parallel_loop3A_323, %parallel_loop3A_324] {strides = array<i32>} : memref<4x200x64xf32, #tpu.memory_space<vmem>>, vector<1x1x16xf32>,
        %parallel_loop3A_326 = vector.shape_cast %parallel_loop3A_325 : vector<1x1x16xf32> to vector<16xf32>
        %parallel_loop3A_327 = arith.index_cast %parallel_loop3A_320 : i32 to index
        %parallel_loop3A_328 = arith.constant 0 : index
        %parallel_loop3A_329 = tpu.vector_load %arg8[%parallel_loop3A_327, %parallel_loop3A_328] {strides = array<i32>} : memref<200x64xf32, #tpu.memory_space<vmem>>, vector<1x16xf32>,
        %parallel_loop3A_330 = vector.shape_cast %parallel_loop3A_329 : vector<1x16xf32> to vector<16xf32>
        %parallel_loop3A_331 = arith.addf %parallel_loop3A_326, %parallel_loop3A_330 : vector<16xf32>
        %parallel_loop3A_332 = arith.constant 2 : i32
        %parallel_loop3A_333 = arith.index_cast %parallel_loop3A_332 : i32 to index
        %parallel_loop3A_334 = arith.index_cast %parallel_loop3A_320 : i32 to index
        %parallel_loop3A_335 = arith.constant 0 : index
        %parallel_loop3A_336 = tpu.vector_load %arg7[%parallel_loop3A_333, %parallel_loop3A_334, %parallel_loop3A_335] {strides = array<i32>} : memref<4x200x64xf32, #tpu.memory_space<vmem>>, vector<1x1x16xf32>,
        %parallel_loop3A_337 = vector.shape_cast %parallel_loop3A_336 : vector<1x1x16xf32> to vector<16xf32>
        %parallel_loop3A_338 = vector.shape_cast %parallel_loop3A_331 : vector<16xf32> to vector<1x1x16xf32>
        tpu.vector_store %arg7[%parallel_loop3A_333, %parallel_loop3A_334, %parallel_loop3A_335], %parallel_loop3A_338 {strides = array<i32>} : memref<4x200x64xf32, #tpu.memory_space<vmem>>, vector<1x1x16xf32>,
        %parallel_loop3A_339 = arith.constant 2 : i32
        %parallel_loop3A_340 = arith.index_cast %parallel_loop3A_339 : i32 to index
        %parallel_loop3A_341 = arith.index_cast %parallel_loop3A_320 : i32 to index
        %parallel_loop3A_342 = arith.constant 16 : index
        %parallel_loop3A_343 = tpu.vector_load %arg7[%parallel_loop3A_340, %parallel_loop3A_341, %parallel_loop3A_342] {strides = array<i32>} : memref<4x200x64xf32, #tpu.memory_space<vmem>>, vector<1x1x16xf32>,
        %parallel_loop3A_344 = vector.shape_cast %parallel_loop3A_343 : vector<1x1x16xf32> to vector<16xf32>
        %parallel_loop3A_345 = arith.index_cast %parallel_loop3A_320 : i32 to index
        %parallel_loop3A_346 = arith.constant 16 : index
        %parallel_loop3A_347 = tpu.vector_load %arg8[%parallel_loop3A_345, %parallel_loop3A_346] {strides = array<i32>} : memref<200x64xf32, #tpu.memory_space<vmem>>, vector<1x16xf32>,
        %parallel_loop3A_348 = vector.shape_cast %parallel_loop3A_347 : vector<1x16xf32> to vector<16xf32>
        %parallel_loop3A_349 = arith.addf %parallel_loop3A_344, %parallel_loop3A_348 : vector<16xf32>
        %parallel_loop3A_350 = arith.constant 2 : i32
        %parallel_loop3A_351 = arith.index_cast %parallel_loop3A_350 : i32 to index
        %parallel_loop3A_352 = arith.index_cast %parallel_loop3A_320 : i32 to index
        %parallel_loop3A_353 = arith.constant 16 : index
        %parallel_loop3A_354 = tpu.vector_load %arg7[%parallel_loop3A_351, %parallel_loop3A_352, %parallel_loop3A_353] {strides = array<i32>} : memref<4x200x64xf32, #tpu.memory_space<vmem>>, vector<1x1x16xf32>,
        %parallel_loop3A_355 = vector.shape_cast %parallel_loop3A_354 : vector<1x1x16xf32> to vector<16xf32>
        %parallel_loop3A_356 = vector.shape_cast %parallel_loop3A_349 : vector<16xf32> to vector<1x1x16xf32>
        tpu.vector_store %arg7[%parallel_loop3A_351, %parallel_loop3A_352, %parallel_loop3A_353], %parallel_loop3A_356 {strides = array<i32>} : memref<4x200x64xf32, #tpu.memory_space<vmem>>, vector<1x1x16xf32>,
        %parallel_loop3A_357 = arith.constant 2 : i32
        %parallel_loop3A_358 = arith.index_cast %parallel_loop3A_357 : i32 to index
        %parallel_loop3A_359 = arith.index_cast %parallel_loop3A_320 : i32 to index
        %parallel_loop3A_360 = arith.constant 32 : index
        %parallel_loop3A_361 = tpu.vector_load %arg7[%parallel_loop3A_358, %parallel_loop3A_359, %parallel_loop3A_360] {strides = array<i32>} : memref<4x200x64xf32, #tpu.memory_space<vmem>>, vector<1x1x16xf32>,
        %parallel_loop3A_362 = vector.shape_cast %parallel_loop3A_361 : vector<1x1x16xf32> to vector<16xf32>
        %parallel_loop3A_363 = arith.index_cast %parallel_loop3A_320 : i32 to index
        %parallel_loop3A_364 = arith.constant 32 : index
        %parallel_loop3A_365 = tpu.vector_load %arg8[%parallel_loop3A_363, %parallel_loop3A_364] {strides = array<i32>} : memref<200x64xf32, #tpu.memory_space<vmem>>, vector<1x16xf32>,
        %parallel_loop3A_366 = vector.shape_cast %parallel_loop3A_365 : vector<1x16xf32> to vector<16xf32>
        %parallel_loop3A_367 = arith.addf %parallel_loop3A_362, %parallel_loop3A_366 : vector<16xf32>
        %parallel_loop3A_368 = arith.constant 2 : i32
        %parallel_loop3A_369 = arith.index_cast %parallel_loop3A_368 : i32 to index
        %parallel_loop3A_370 = arith.index_cast %parallel_loop3A_320 : i32 to index
        %parallel_loop3A_371 = arith.constant 32 : index
        %parallel_loop3A_372 = tpu.vector_load %arg7[%parallel_loop3A_369, %parallel_loop3A_370, %parallel_loop3A_371] {strides = array<i32>} : memref<4x200x64xf32, #tpu.memory_space<vmem>>, vector<1x1x16xf32>,
        %parallel_loop3A_373 = vector.shape_cast %parallel_loop3A_372 : vector<1x1x16xf32> to vector<16xf32>
        %parallel_loop3A_374 = vector.shape_cast %parallel_loop3A_367 : vector<16xf32> to vector<1x1x16xf32>
        tpu.vector_store %arg7[%parallel_loop3A_369, %parallel_loop3A_370, %parallel_loop3A_371], %parallel_loop3A_374 {strides = array<i32>} : memref<4x200x64xf32, #tpu.memory_space<vmem>>, vector<1x1x16xf32>,
        %parallel_loop3A_375 = arith.constant 2 : i32
        %parallel_loop3A_376 = arith.index_cast %parallel_loop3A_375 : i32 to index
        %parallel_loop3A_377 = arith.index_cast %parallel_loop3A_320 : i32 to index
        %parallel_loop3A_378 = arith.constant 48 : index
        %parallel_loop3A_379 = tpu.vector_load %arg7[%parallel_loop3A_376, %parallel_loop3A_377, %parallel_loop3A_378] {strides = array<i32>} : memref<4x200x64xf32, #tpu.memory_space<vmem>>, vector<1x1x16xf32>,
        %parallel_loop3A_380 = vector.shape_cast %parallel_loop3A_379 : vector<1x1x16xf32> to vector<16xf32>
        %parallel_loop3A_381 = arith.index_cast %parallel_loop3A_320 : i32 to index
        %parallel_loop3A_382 = arith.constant 48 : index
        %parallel_loop3A_383 = tpu.vector_load %arg8[%parallel_loop3A_381, %parallel_loop3A_382] {strides = array<i32>} : memref<200x64xf32, #tpu.memory_space<vmem>>, vector<1x16xf32>,
        %parallel_loop3A_384 = vector.shape_cast %parallel_loop3A_383 : vector<1x16xf32> to vector<16xf32>
        %parallel_loop3A_385 = arith.addf %parallel_loop3A_380, %parallel_loop3A_384 : vector<16xf32>
        %parallel_loop3A_386 = arith.constant 2 : i32
        %parallel_loop3A_387 = arith.index_cast %parallel_loop3A_386 : i32 to index
        %parallel_loop3A_388 = arith.index_cast %parallel_loop3A_320 : i32 to index
        %parallel_loop3A_389 = arith.constant 48 : index
        %parallel_loop3A_390 = tpu.vector_load %arg7[%parallel_loop3A_387, %parallel_loop3A_388, %parallel_loop3A_389] {strides = array<i32>} : memref<4x200x64xf32, #tpu.memory_space<vmem>>, vector<1x1x16xf32>,
        %parallel_loop3A_391 = vector.shape_cast %parallel_loop3A_390 : vector<1x1x16xf32> to vector<16xf32>
        %parallel_loop3A_392 = vector.shape_cast %parallel_loop3A_385 : vector<16xf32> to vector<1x1x16xf32>
        tpu.vector_store %arg7[%parallel_loop3A_387, %parallel_loop3A_388, %parallel_loop3A_389], %parallel_loop3A_392 {strides = array<i32>} : memref<4x200x64xf32, #tpu.memory_space<vmem>>, vector<1x1x16xf32>,
      } {sc.loop_unroll_factor = 8 : i64, sc.parallel_access}
      %add3A_252 = arith.addi %mul3A_2, %add3A_227 : i32
      %dma_start3A_253 = arith.constant 2 : i32
      %dma_start3A_254 = arith.constant 2 : i32
      %dma_start3A_255 = arith.constant 0 : i32
      %dma_start3A_256 = arith.constant 0 : i32
      %dma_start3A_257 = tpu.memref_slice %arg7[%dma_start3A_253, %dma_start3A_255, %dma_start3A_256] : memref<4x200x64xf32, #tpu.memory_space<vmem>> -> memref<1x200x64xf32, #tpu.memory_space<vmem>>
      %dma_start3A_258 = tpu.memref_squeeze %dma_start3A_257 : memref<1x200x64xf32, #tpu.memory_space<vmem>> -> memref<200x64xf32, #tpu.memory_space<vmem>>
      %dma_start3A_259 = arith.constant 0 : i32
      %dma_start3A_260 = arith.constant 0 : i32
      %dma_start3A_261 = tpu.memref_slice %arg5[%add3A_252, %dma_start3A_259, %dma_start3A_260] : memref<4096x200x64xf32, #tpu.memory_space<hbm>> -> memref<1x200x64xf32, #tpu.memory_space<hbm>>
      %dma_start3A_262 = tpu.memref_squeeze %dma_start3A_261 : memref<1x200x64xf32, #tpu.memory_space<hbm>> -> memref<200x64xf32, #tpu.memory_space<hbm>>
      %dma_start3A_263 = tpu.memref_slice %arg11[%dma_start3A_254] : memref<4x!tpu.dma_semaphore, #tpu.memory_space<semaphore_mem>> -> memref<1x!tpu.dma_semaphore, #tpu.memory_space<semaphore_mem>>
      %dma_start3A_264 = tpu.memref_squeeze %dma_start3A_263 : memref<1x!tpu.dma_semaphore, #tpu.memory_space<semaphore_mem>> -> memref<!tpu.dma_semaphore, #tpu.memory_space<semaphore_mem>>
      %dma_start3A_265 = arith.constant 0 : i32
      %dma_start3A_266 = arith.constant 0 : i32
      %dma_start3A_267 = tpu.memref_slice %arg5[%add3A_252, %dma_start3A_265, %dma_start3A_266] : memref<4096x200x64xf32, #tpu.memory_space<hbm>> -> memref<1x200x64xf32, #tpu.memory_space<hbm>>
      %dma_start3A_268 = tpu.memref_squeeze %dma_start3A_267 : memref<1x200x64xf32, #tpu.memory_space<hbm>> -> memref<200x64xf32, #tpu.memory_space<hbm>>
      %dma_start3A_269 = arith.constant 0 : i32
      %dma_start3A_270 = arith.constant 0 : i32
      %dma_start3A_271 = tpu.memref_slice %arg7[%dma_start3A_253, %dma_start3A_269, %dma_start3A_270] : memref<4x200x64xf32, #tpu.memory_space<vmem>> -> memref<1x200x64xf32, #tpu.memory_space<vmem>>
      %dma_start3A_272 = tpu.memref_squeeze %dma_start3A_271 : memref<1x200x64xf32, #tpu.memory_space<vmem>> -> memref<200x64xf32, #tpu.memory_space<vmem>>
      tpu.enqueue_dma source(%dma_start3A_272 : memref<200x64xf32, #tpu.memory_space<vmem>>) target(%dma_start3A_268 : memref<200x64xf32, #tpu.memory_space<hbm>>) target_semaphore(%dma_start3A_264 : memref<!tpu.dma_semaphore, #tpu.memory_space<semaphore_mem>>)
      %add3A_273 = arith.constant 3 : i32
      %add3A_274 = arith.addi %add3A_135, %add3A_273 : i32
      %add3A_275 = arith.constant 2 : i32
      %add3A_276 = arith.addi %add3A_274, %add3A_275 : i32
      %lt3A_277 = arith.constant 128 : i32
      %lt3A_278 = arith.cmpi slt, %add3A_276, %lt3A_277 : i32
      %convert_element_type3A_279 = arith.extui %lt3A_278 : i1 to i32
      %cond3A_280 = arith.constant 0 : i32
      %cond3A_281 = arith.cmpi ne, %convert_element_type3A_279, %cond3A_280 : i32
      scf.if %cond3A_281 {
        %ge3A = arith.constant 2 : i32
        %ge3A_320 = arith.cmpi sge, %add3A_274, %ge3A : i32
        %convert_element_type3A_321 = arith.extui %ge3A_320 : i1 to i32
        %cond3A_322 = arith.constant 0 : i32
        %cond3A_323 = arith.cmpi ne, %convert_element_type3A_321, %cond3A_322 : i32
        scf.if %cond3A_323 {
          %sub3A = arith.constant 2 : i32
          %sub3A_340 = arith.subi %add3A_274, %sub3A : i32
          %add3A_341 = arith.addi %mul3A_2, %sub3A_340 : i32
          %dma_wait3A_342 = arith.constant 1 : i32
          %dma_wait3A_343 = arith.constant 1 : i32
          %dma_wait3A_344 = arith.constant 0 : i32
          %dma_wait3A_345 = arith.constant 0 : i32
          %dma_wait3A_346 = tpu.memref_slice %arg7[%dma_wait3A_342, %dma_wait3A_344, %dma_wait3A_345] : memref<4x200x64xf32, #tpu.memory_space<vmem>> -> memref<1x200x64xf32, #tpu.memory_space<vmem>>
          %dma_wait3A_347 = tpu.memref_squeeze %dma_wait3A_346 : memref<1x200x64xf32, #tpu.memory_space<vmem>> -> memref<200x64xf32, #tpu.memory_space<vmem>>
          %dma_wait3A_348 = arith.constant 0 : i32
          %dma_wait3A_349 = arith.constant 0 : i32
          %dma_wait3A_350 = tpu.memref_slice %arg5[%add3A_341, %dma_wait3A_348, %dma_wait3A_349] : memref<4096x200x64xf32, #tpu.memory_space<hbm>> -> memref<1x200x64xf32, #tpu.memory_space<hbm>>
          %dma_wait3A_351 = tpu.memref_squeeze %dma_wait3A_350 : memref<1x200x64xf32, #tpu.memory_space<hbm>> -> memref<200x64xf32, #tpu.memory_space<hbm>>
          %dma_wait3A_352 = tpu.memref_slice %arg11[%dma_wait3A_343] : memref<4x!tpu.dma_semaphore, #tpu.memory_space<semaphore_mem>> -> memref<1x!tpu.dma_semaphore, #tpu.memory_space<semaphore_mem>>
          %dma_wait3A_353 = tpu.memref_squeeze %dma_wait3A_352 : memref<1x!tpu.dma_semaphore, #tpu.memory_space<semaphore_mem>> -> memref<!tpu.dma_semaphore, #tpu.memory_space<semaphore_mem>>
          %dma_wait3A_354 = arith.constant 0 : i32
          %dma_wait3A_355 = arith.constant 0 : i32
          %dma_wait3A_356 = tpu.memref_slice %arg5[%add3A_341, %dma_wait3A_354, %dma_wait3A_355] : memref<4096x200x64xf32, #tpu.memory_space<hbm>> -> memref<1x200x64xf32, #tpu.memory_space<hbm>>
          %dma_wait3A_357 = tpu.memref_squeeze %dma_wait3A_356 : memref<1x200x64xf32, #tpu.memory_space<hbm>> -> memref<200x64xf32, #tpu.memory_space<hbm>>
          %dma_wait3A_358 = arith.constant 0 : i32
          %dma_wait3A_359 = arith.constant 0 : i32
          %dma_wait3A_360 = tpu.memref_slice %arg7[%dma_wait3A_342, %dma_wait3A_358, %dma_wait3A_359] : memref<4x200x64xf32, #tpu.memory_space<vmem>> -> memref<1x200x64xf32, #tpu.memory_space<vmem>>
          %dma_wait3A_361 = tpu.memref_squeeze %dma_wait3A_360 : memref<1x200x64xf32, #tpu.memory_space<vmem>> -> memref<200x64xf32, #tpu.memory_space<vmem>>
          tpu.wait_dma2 semaphore(%dma_wait3A_353 : memref<!tpu.dma_semaphore, #tpu.memory_space<semaphore_mem>>) src(%dma_wait3A_361 : memref<200x64xf32, #tpu.memory_space<vmem>>) dst(%dma_wait3A_357 : memref<200x64xf32, #tpu.memory_space<hbm>>)
        } else {
        }
        %add3A_324 = arith.constant 2 : i32
        %add3A_325 = arith.addi %add3A_274, %add3A_324 : i32
        %dma_start3A_326 = arith.constant 1 : i32
        %dma_start3A_327 = arith.constant 1 : i32
        %dma_start3A_328 = arith.constant 0 : i32
        %dma_start3A_329 = arith.constant 0 : i32
        %dma_start3A_330 = tpu.memref_slice %arg7[%dma_start3A_326, %dma_start3A_328, %dma_start3A_329] : memref<4x200x64xf32, #tpu.memory_space<vmem>> -> memref<1x200x64xf32, #tpu.memory_space<vmem>>
        %dma_start3A_331 = tpu.memref_squeeze %dma_start3A_330 : memref<1x200x64xf32, #tpu.memory_space<vmem>> -> memref<200x64xf32, #tpu.memory_space<vmem>>
        %dma_start3A_332 = arith.constant 0 : i32
        %dma_start3A_333 = tpu.memref_slice %arg6[%add3A_325, %dma_start3A_332] : memref<128x200xi32, #tpu.memory_space<vmem>> -> memref<1x200xi32, #tpu.memory_space<vmem>>
        %dma_start3A_334 = tpu.memref_squeeze %dma_start3A_333 : memref<1x200xi32, #tpu.memory_space<vmem>> -> memref<200xi32, #tpu.memory_space<vmem>>
        %dma_start3A_335 = arith.constant 0 : i32
        %dma_start3A_336 = arith.constant 0 : i32
        %dma_start3A_337 = tpu.memref_slice %arg2[%dma_start3A_335, %dma_start3A_336] : memref<1000000x64xf32, #tpu.memory_space<hbm>> -> memref<1000000x64xf32, #tpu.memory_space<hbm>>
        %dma_start3A_338 = tpu.memref_slice %arg10[%dma_start3A_327] : memref<4x!tpu.dma_semaphore, #tpu.memory_space<semaphore_mem>> -> memref<1x!tpu.dma_semaphore, #tpu.memory_space<semaphore_mem>>
        %dma_start3A_339 = tpu.memref_squeeze %dma_start3A_338 : memref<1x!tpu.dma_semaphore, #tpu.memory_space<semaphore_mem>> -> memref<!tpu.dma_semaphore, #tpu.memory_space<semaphore_mem>>
        tpu.enqueue_indirect_dma source(%dma_start3A_337 : memref<1000000x64xf32, #tpu.memory_space<hbm>>) target(%dma_start3A_331 : memref<200x64xf32, #tpu.memory_space<vmem>>) offsets(%dma_start3A_334 : memref<200xi32, #tpu.memory_space<vmem>>) semaphore(%dma_start3A_339 : memref<!tpu.dma_semaphore, #tpu.memory_space<semaphore_mem>>)
      } else {
      }
      %dma_wait3A_282 = arith.constant 3 : i32
      %dma_wait3A_283 = arith.constant 3 : i32
      %dma_wait3A_284 = arith.constant 0 : i32
      %dma_wait3A_285 = arith.constant 0 : i32
      %dma_wait3A_286 = tpu.memref_slice %arg7[%dma_wait3A_282, %dma_wait3A_284, %dma_wait3A_285] : memref<4x200x64xf32, #tpu.memory_space<vmem>> -> memref<1x200x64xf32, #tpu.memory_space<vmem>>
      %dma_wait3A_287 = tpu.memref_squeeze %dma_wait3A_286 : memref<1x200x64xf32, #tpu.memory_space<vmem>> -> memref<200x64xf32, #tpu.memory_space<vmem>>
      %dma_wait3A_288 = arith.constant 0 : i32
      %dma_wait3A_289 = tpu.memref_slice %arg6[%add3A_274, %dma_wait3A_288] : memref<128x200xi32, #tpu.memory_space<vmem>> -> memref<1x200xi32, #tpu.memory_space<vmem>>
      %dma_wait3A_290 = tpu.memref_squeeze %dma_wait3A_289 : memref<1x200xi32, #tpu.memory_space<vmem>> -> memref<200xi32, #tpu.memory_space<vmem>>
      %dma_wait3A_291 = arith.constant 0 : i32
      %dma_wait3A_292 = arith.constant 0 : i32
      %dma_wait3A_293 = tpu.memref_slice %arg2[%dma_wait3A_291, %dma_wait3A_292] : memref<1000000x64xf32, #tpu.memory_space<hbm>> -> memref<1000000x64xf32, #tpu.memory_space<hbm>>
      %dma_wait3A_294 = tpu.memref_slice %arg10[%dma_wait3A_283] : memref<4x!tpu.dma_semaphore, #tpu.memory_space<semaphore_mem>> -> memref<1x!tpu.dma_semaphore, #tpu.memory_space<semaphore_mem>>
      %dma_wait3A_295 = tpu.memref_squeeze %dma_wait3A_294 : memref<1x!tpu.dma_semaphore, #tpu.memory_space<semaphore_mem>> -> memref<!tpu.dma_semaphore, #tpu.memory_space<semaphore_mem>>
      tpu.wait_indirect_dma semaphore(%dma_wait3A_295 : memref<!tpu.dma_semaphore, #tpu.memory_space<semaphore_mem>>) src(%dma_wait3A_293 : memref<1000000x64xf32, #tpu.memory_space<hbm>>) dst(%dma_wait3A_287 : memref<200x64xf32, #tpu.memory_space<vmem>>)
      %parallel_loop3A_296 = arith.constant 0 : i32
      %parallel_loop3A_297 = arith.constant 200 : i32
      %parallel_loop3A_298 = arith.constant 1 : i32
      scf.for %parallel_loop3A_320 = %parallel_loop3A_296 to %parallel_loop3A_297 step %parallel_loop3A_298  : i32 {
        %parallel_loop3A_321 = arith.constant 3 : i32
        %parallel_loop3A_322 = arith.index_cast %parallel_loop3A_321 : i32 to index
        %parallel_loop3A_323 = arith.index_cast %parallel_loop3A_320 : i32 to index
        %parallel_loop3A_324 = arith.constant 0 : index
        %parallel_loop3A_325 = tpu.vector_load %arg7[%parallel_loop3A_322, %parallel_loop3A_323, %parallel_loop3A_324] {strides = array<i32>} : memref<4x200x64xf32, #tpu.memory_space<vmem>>, vector<1x1x16xf32>,
        %parallel_loop3A_326 = vector.shape_cast %parallel_loop3A_325 : vector<1x1x16xf32> to vector<16xf32>
        %parallel_loop3A_327 = arith.index_cast %parallel_loop3A_320 : i32 to index
        %parallel_loop3A_328 = arith.constant 0 : index
        %parallel_loop3A_329 = tpu.vector_load %arg8[%parallel_loop3A_327, %parallel_loop3A_328] {strides = array<i32>} : memref<200x64xf32, #tpu.memory_space<vmem>>, vector<1x16xf32>,
        %parallel_loop3A_330 = vector.shape_cast %parallel_loop3A_329 : vector<1x16xf32> to vector<16xf32>
        %parallel_loop3A_331 = arith.addf %parallel_loop3A_326, %parallel_loop3A_330 : vector<16xf32>
        %parallel_loop3A_332 = arith.constant 3 : i32
        %parallel_loop3A_333 = arith.index_cast %parallel_loop3A_332 : i32 to index
        %parallel_loop3A_334 = arith.index_cast %parallel_loop3A_320 : i32 to index
        %parallel_loop3A_335 = arith.constant 0 : index
        %parallel_loop3A_336 = tpu.vector_load %arg7[%parallel_loop3A_333, %parallel_loop3A_334, %parallel_loop3A_335] {strides = array<i32>} : memref<4x200x64xf32, #tpu.memory_space<vmem>>, vector<1x1x16xf32>,
        %parallel_loop3A_337 = vector.shape_cast %parallel_loop3A_336 : vector<1x1x16xf32> to vector<16xf32>
        %parallel_loop3A_338 = vector.shape_cast %parallel_loop3A_331 : vector<16xf32> to vector<1x1x16xf32>
        tpu.vector_store %arg7[%parallel_loop3A_333, %parallel_loop3A_334, %parallel_loop3A_335], %parallel_loop3A_338 {strides = array<i32>} : memref<4x200x64xf32, #tpu.memory_space<vmem>>, vector<1x1x16xf32>,
        %parallel_loop3A_339 = arith.constant 3 : i32
        %parallel_loop3A_340 = arith.index_cast %parallel_loop3A_339 : i32 to index
        %parallel_loop3A_341 = arith.index_cast %parallel_loop3A_320 : i32 to index
        %parallel_loop3A_342 = arith.constant 16 : index
        %parallel_loop3A_343 = tpu.vector_load %arg7[%parallel_loop3A_340, %parallel_loop3A_341, %parallel_loop3A_342] {strides = array<i32>} : memref<4x200x64xf32, #tpu.memory_space<vmem>>, vector<1x1x16xf32>,
        %parallel_loop3A_344 = vector.shape_cast %parallel_loop3A_343 : vector<1x1x16xf32> to vector<16xf32>
        %parallel_loop3A_345 = arith.index_cast %parallel_loop3A_320 : i32 to index
        %parallel_loop3A_346 = arith.constant 16 : index
        %parallel_loop3A_347 = tpu.vector_load %arg8[%parallel_loop3A_345, %parallel_loop3A_346] {strides = array<i32>} : memref<200x64xf32, #tpu.memory_space<vmem>>, vector<1x16xf32>,
        %parallel_loop3A_348 = vector.shape_cast %parallel_loop3A_347 : vector<1x16xf32> to vector<16xf32>
        %parallel_loop3A_349 = arith.addf %parallel_loop3A_344, %parallel_loop3A_348 : vector<16xf32>
        %parallel_loop3A_350 = arith.constant 3 : i32
        %parallel_loop3A_351 = arith.index_cast %parallel_loop3A_350 : i32 to index
        %parallel_loop3A_352 = arith.index_cast %parallel_loop3A_320 : i32 to index
        %parallel_loop3A_353 = arith.constant 16 : index
        %parallel_loop3A_354 = tpu.vector_load %arg7[%parallel_loop3A_351, %parallel_loop3A_352, %parallel_loop3A_353] {strides = array<i32>} : memref<4x200x64xf32, #tpu.memory_space<vmem>>, vector<1x1x16xf32>,
        %parallel_loop3A_355 = vector.shape_cast %parallel_loop3A_354 : vector<1x1x16xf32> to vector<16xf32>
        %parallel_loop3A_356 = vector.shape_cast %parallel_loop3A_349 : vector<16xf32> to vector<1x1x16xf32>
        tpu.vector_store %arg7[%parallel_loop3A_351, %parallel_loop3A_352, %parallel_loop3A_353], %parallel_loop3A_356 {strides = array<i32>} : memref<4x200x64xf32, #tpu.memory_space<vmem>>, vector<1x1x16xf32>,
        %parallel_loop3A_357 = arith.constant 3 : i32
        %parallel_loop3A_358 = arith.index_cast %parallel_loop3A_357 : i32 to index
        %parallel_loop3A_359 = arith.index_cast %parallel_loop3A_320 : i32 to index
        %parallel_loop3A_360 = arith.constant 32 : index
        %parallel_loop3A_361 = tpu.vector_load %arg7[%parallel_loop3A_358, %parallel_loop3A_359, %parallel_loop3A_360] {strides = array<i32>} : memref<4x200x64xf32, #tpu.memory_space<vmem>>, vector<1x1x16xf32>,
        %parallel_loop3A_362 = vector.shape_cast %parallel_loop3A_361 : vector<1x1x16xf32> to vector<16xf32>
        %parallel_loop3A_363 = arith.index_cast %parallel_loop3A_320 : i32 to index
        %parallel_loop3A_364 = arith.constant 32 : index
        %parallel_loop3A_365 = tpu.vector_load %arg8[%parallel_loop3A_363, %parallel_loop3A_364] {strides = array<i32>} : memref<200x64xf32, #tpu.memory_space<vmem>>, vector<1x16xf32>,
        %parallel_loop3A_366 = vector.shape_cast %parallel_loop3A_365 : vector<1x16xf32> to vector<16xf32>
        %parallel_loop3A_367 = arith.addf %parallel_loop3A_362, %parallel_loop3A_366 : vector<16xf32>
        %parallel_loop3A_368 = arith.constant 3 : i32
        %parallel_loop3A_369 = arith.index_cast %parallel_loop3A_368 : i32 to index
        %parallel_loop3A_370 = arith.index_cast %parallel_loop3A_320 : i32 to index
        %parallel_loop3A_371 = arith.constant 32 : index
        %parallel_loop3A_372 = tpu.vector_load %arg7[%parallel_loop3A_369, %parallel_loop3A_370, %parallel_loop3A_371] {strides = array<i32>} : memref<4x200x64xf32, #tpu.memory_space<vmem>>, vector<1x1x16xf32>,
        %parallel_loop3A_373 = vector.shape_cast %parallel_loop3A_372 : vector<1x1x16xf32> to vector<16xf32>
        %parallel_loop3A_374 = vector.shape_cast %parallel_loop3A_367 : vector<16xf32> to vector<1x1x16xf32>
        tpu.vector_store %arg7[%parallel_loop3A_369, %parallel_loop3A_370, %parallel_loop3A_371], %parallel_loop3A_374 {strides = array<i32>} : memref<4x200x64xf32, #tpu.memory_space<vmem>>, vector<1x1x16xf32>,
        %parallel_loop3A_375 = arith.constant 3 : i32
        %parallel_loop3A_376 = arith.index_cast %parallel_loop3A_375 : i32 to index
        %parallel_loop3A_377 = arith.index_cast %parallel_loop3A_320 : i32 to index
        %parallel_loop3A_378 = arith.constant 48 : index
        %parallel_loop3A_379 = tpu.vector_load %arg7[%parallel_loop3A_376, %parallel_loop3A_377, %parallel_loop3A_378] {strides = array<i32>} : memref<4x200x64xf32, #tpu.memory_space<vmem>>, vector<1x1x16xf32>,
        %parallel_loop3A_380 = vector.shape_cast %parallel_loop3A_379 : vector<1x1x16xf32> to vector<16xf32>
        %parallel_loop3A_381 = arith.index_cast %parallel_loop3A_320 : i32 to index
        %parallel_loop3A_382 = arith.constant 48 : index
        %parallel_loop3A_383 = tpu.vector_load %arg8[%parallel_loop3A_381, %parallel_loop3A_382] {strides = array<i32>} : memref<200x64xf32, #tpu.memory_space<vmem>>, vector<1x16xf32>,
        %parallel_loop3A_384 = vector.shape_cast %parallel_loop3A_383 : vector<1x16xf32> to vector<16xf32>
        %parallel_loop3A_385 = arith.addf %parallel_loop3A_380, %parallel_loop3A_384 : vector<16xf32>
        %parallel_loop3A_386 = arith.constant 3 : i32
        %parallel_loop3A_387 = arith.index_cast %parallel_loop3A_386 : i32 to index
        %parallel_loop3A_388 = arith.index_cast %parallel_loop3A_320 : i32 to index
        %parallel_loop3A_389 = arith.constant 48 : index
        %parallel_loop3A_390 = tpu.vector_load %arg7[%parallel_loop3A_387, %parallel_loop3A_388, %parallel_loop3A_389] {strides = array<i32>} : memref<4x200x64xf32, #tpu.memory_space<vmem>>, vector<1x1x16xf32>,
        %parallel_loop3A_391 = vector.shape_cast %parallel_loop3A_390 : vector<1x1x16xf32> to vector<16xf32>
        %parallel_loop3A_392 = vector.shape_cast %parallel_loop3A_385 : vector<16xf32> to vector<1x1x16xf32>
        tpu.vector_store %arg7[%parallel_loop3A_387, %parallel_loop3A_388, %parallel_loop3A_389], %parallel_loop3A_392 {strides = array<i32>} : memref<4x200x64xf32, #tpu.memory_space<vmem>>, vector<1x1x16xf32>,
      } {sc.loop_unroll_factor = 8 : i64, sc.parallel_access}
      %add3A_299 = arith.addi %mul3A_2, %add3A_274 : i32
      %dma_start3A_300 = arith.constant 3 : i32
      %dma_start3A_301 = arith.constant 3 : i32
      %dma_start3A_302 = arith.constant 0 : i32
      %dma_start3A_303 = arith.constant 0 : i32
      %dma_start3A_304 = tpu.memref_slice %arg7[%dma_start3A_300, %dma_start3A_302, %dma_start3A_303] : memref<4x200x64xf32, #tpu.memory_space<vmem>> -> memref<1x200x64xf32, #tpu.memory_space<vmem>>
      %dma_start3A_305 = tpu.memref_squeeze %dma_start3A_304 : memref<1x200x64xf32, #tpu.memory_space<vmem>> -> memref<200x64xf32, #tpu.memory_space<vmem>>
      %dma_start3A_306 = arith.constant 0 : i32
      %dma_start3A_307 = arith.constant 0 : i32
      %dma_start3A_308 = tpu.memref_slice %arg5[%add3A_299, %dma_start3A_306, %dma_start3A_307] : memref<4096x200x64xf32, #tpu.memory_space<hbm>> -> memref<1x200x64xf32, #tpu.memory_space<hbm>>
      %dma_start3A_309 = tpu.memref_squeeze %dma_start3A_308 : memref<1x200x64xf32, #tpu.memory_space<hbm>> -> memref<200x64xf32, #tpu.memory_space<hbm>>
      %dma_start3A_310 = tpu.memref_slice %arg11[%dma_start3A_301] : memref<4x!tpu.dma_semaphore, #tpu.memory_space<semaphore_mem>> -> memref<1x!tpu.dma_semaphore, #tpu.memory_space<semaphore_mem>>
      %dma_start3A_311 = tpu.memref_squeeze %dma_start3A_310 : memref<1x!tpu.dma_semaphore, #tpu.memory_space<semaphore_mem>> -> memref<!tpu.dma_semaphore, #tpu.memory_space<semaphore_mem>>
      %dma_start3A_312 = arith.constant 0 : i32
      %dma_start3A_313 = arith.constant 0 : i32
      %dma_start3A_314 = tpu.memref_slice %arg5[%add3A_299, %dma_start3A_312, %dma_start3A_313] : memref<4096x200x64xf32, #tpu.memory_space<hbm>> -> memref<1x200x64xf32, #tpu.memory_space<hbm>>
      %dma_start3A_315 = tpu.memref_squeeze %dma_start3A_314 : memref<1x200x64xf32, #tpu.memory_space<hbm>> -> memref<200x64xf32, #tpu.memory_space<hbm>>
      %dma_start3A_316 = arith.constant 0 : i32
      %dma_start3A_317 = arith.constant 0 : i32
      %dma_start3A_318 = tpu.memref_slice %arg7[%dma_start3A_300, %dma_start3A_316, %dma_start3A_317] : memref<4x200x64xf32, #tpu.memory_space<vmem>> -> memref<1x200x64xf32, #tpu.memory_space<vmem>>
      %dma_start3A_319 = tpu.memref_squeeze %dma_start3A_318 : memref<1x200x64xf32, #tpu.memory_space<vmem>> -> memref<200x64xf32, #tpu.memory_space<vmem>>
      tpu.enqueue_dma source(%dma_start3A_319 : memref<200x64xf32, #tpu.memory_space<vmem>>) target(%dma_start3A_315 : memref<200x64xf32, #tpu.memory_space<hbm>>) target_semaphore(%dma_start3A_311 : memref<!tpu.dma_semaphore, #tpu.memory_space<semaphore_mem>>)
    }
    %scan3A_42 = arith.constant 32 : i32
    %add3A_43 = arith.constant 124 : i32
    %add3A_44 = arith.addi %mul3A_2, %add3A_43 : i32
    %dma_wait3A_45 = arith.constant 0 : i32
    %dma_wait3A_46 = arith.constant 0 : i32
    %dma_wait3A_47 = arith.constant 0 : i32
    %dma_wait3A_48 = arith.constant 0 : i32
    %dma_wait3A_49 = tpu.memref_slice %arg7[%dma_wait3A_45, %dma_wait3A_47, %dma_wait3A_48] : memref<4x200x64xf32, #tpu.memory_space<vmem>> -> memref<1x200x64xf32, #tpu.memory_space<vmem>>
    %dma_wait3A_50 = tpu.memref_squeeze %dma_wait3A_49 : memref<1x200x64xf32, #tpu.memory_space<vmem>> -> memref<200x64xf32, #tpu.memory_space<vmem>>
    %dma_wait3A_51 = arith.constant 0 : i32
    %dma_wait3A_52 = arith.constant 0 : i32
    %dma_wait3A_53 = tpu.memref_slice %arg5[%add3A_44, %dma_wait3A_51, %dma_wait3A_52] : memref<4096x200x64xf32, #tpu.memory_space<hbm>> -> memref<1x200x64xf32, #tpu.memory_space<hbm>>
    %dma_wait3A_54 = tpu.memref_squeeze %dma_wait3A_53 : memref<1x200x64xf32, #tpu.memory_space<hbm>> -> memref<200x64xf32, #tpu.memory_space<hbm>>
    %dma_wait3A_55 = tpu.memref_slice %arg11[%dma_wait3A_46] : memref<4x!tpu.dma_semaphore, #tpu.memory_space<semaphore_mem>> -> memref<1x!tpu.dma_semaphore, #tpu.memory_space<semaphore_mem>>
    %dma_wait3A_56 = tpu.memref_squeeze %dma_wait3A_55 : memref<1x!tpu.dma_semaphore, #tpu.memory_space<semaphore_mem>> -> memref<!tpu.dma_semaphore, #tpu.memory_space<semaphore_mem>>
    %dma_wait3A_57 = arith.constant 0 : i32
    %dma_wait3A_58 = arith.constant 0 : i32
    %dma_wait3A_59 = tpu.memref_slice %arg5[%add3A_44, %dma_wait3A_57, %dma_wait3A_58] : memref<4096x200x64xf32, #tpu.memory_space<hbm>> -> memref<1x200x64xf32, #tpu.memory_space<hbm>>
    %dma_wait3A_60 = tpu.memref_squeeze %dma_wait3A_59 : memref<1x200x64xf32, #tpu.memory_space<hbm>> -> memref<200x64xf32, #tpu.memory_space<hbm>>
    %dma_wait3A_61 = arith.constant 0 : i32
    %dma_wait3A_62 = arith.constant 0 : i32
    %dma_wait3A_63 = tpu.memref_slice %arg7[%dma_wait3A_45, %dma_wait3A_61, %dma_wait3A_62] : memref<4x200x64xf32, #tpu.memory_space<vmem>> -> memref<1x200x64xf32, #tpu.memory_space<vmem>>
    %dma_wait3A_64 = tpu.memref_squeeze %dma_wait3A_63 : memref<1x200x64xf32, #tpu.memory_space<vmem>> -> memref<200x64xf32, #tpu.memory_space<vmem>>
    tpu.wait_dma2 semaphore(%dma_wait3A_56 : memref<!tpu.dma_semaphore, #tpu.memory_space<semaphore_mem>>) src(%dma_wait3A_64 : memref<200x64xf32, #tpu.memory_space<vmem>>) dst(%dma_wait3A_60 : memref<200x64xf32, #tpu.memory_space<hbm>>)
    %add3A_65 = arith.constant 125 : i32
    %add3A_66 = arith.addi %mul3A_2, %add3A_65 : i32
    %dma_wait3A_67 = arith.constant 1 : i32
    %dma_wait3A_68 = arith.constant 1 : i32
    %dma_wait3A_69 = arith.constant 0 : i32
    %dma_wait3A_70 = arith.constant 0 : i32
    %dma_wait3A_71 = tpu.memref_slice %arg7[%dma_wait3A_67, %dma_wait3A_69, %dma_wait3A_70] : memref<4x200x64xf32, #tpu.memory_space<vmem>> -> memref<1x200x64xf32, #tpu.memory_space<vmem>>
    %dma_wait3A_72 = tpu.memref_squeeze %dma_wait3A_71 : memref<1x200x64xf32, #tpu.memory_space<vmem>> -> memref<200x64xf32, #tpu.memory_space<vmem>>
    %dma_wait3A_73 = arith.constant 0 : i32
    %dma_wait3A_74 = arith.constant 0 : i32
    %dma_wait3A_75 = tpu.memref_slice %arg5[%add3A_66, %dma_wait3A_73, %dma_wait3A_74] : memref<4096x200x64xf32, #tpu.memory_space<hbm>> -> memref<1x200x64xf32, #tpu.memory_space<hbm>>
    %dma_wait3A_76 = tpu.memref_squeeze %dma_wait3A_75 : memref<1x200x64xf32, #tpu.memory_space<hbm>> -> memref<200x64xf32, #tpu.memory_space<hbm>>
    %dma_wait3A_77 = tpu.memref_slice %arg11[%dma_wait3A_68] : memref<4x!tpu.dma_semaphore, #tpu.memory_space<semaphore_mem>> -> memref<1x!tpu.dma_semaphore, #tpu.memory_space<semaphore_mem>>
    %dma_wait3A_78 = tpu.memref_squeeze %dma_wait3A_77 : memref<1x!tpu.dma_semaphore, #tpu.memory_space<semaphore_mem>> -> memref<!tpu.dma_semaphore, #tpu.memory_space<semaphore_mem>>
    %dma_wait3A_79 = arith.constant 0 : i32
    %dma_wait3A_80 = arith.constant 0 : i32
    %dma_wait3A_81 = tpu.memref_slice %arg5[%add3A_66, %dma_wait3A_79, %dma_wait3A_80] : memref<4096x200x64xf32, #tpu.memory_space<hbm>> -> memref<1x200x64xf32, #tpu.memory_space<hbm>>
    %dma_wait3A_82 = tpu.memref_squeeze %dma_wait3A_81 : memref<1x200x64xf32, #tpu.memory_space<hbm>> -> memref<200x64xf32, #tpu.memory_space<hbm>>
    %dma_wait3A_83 = arith.constant 0 : i32
    %dma_wait3A_84 = arith.constant 0 : i32
    %dma_wait3A_85 = tpu.memref_slice %arg7[%dma_wait3A_67, %dma_wait3A_83, %dma_wait3A_84] : memref<4x200x64xf32, #tpu.memory_space<vmem>> -> memref<1x200x64xf32, #tpu.memory_space<vmem>>
    %dma_wait3A_86 = tpu.memref_squeeze %dma_wait3A_85 : memref<1x200x64xf32, #tpu.memory_space<vmem>> -> memref<200x64xf32, #tpu.memory_space<vmem>>
    tpu.wait_dma2 semaphore(%dma_wait3A_78 : memref<!tpu.dma_semaphore, #tpu.memory_space<semaphore_mem>>) src(%dma_wait3A_86 : memref<200x64xf32, #tpu.memory_space<vmem>>) dst(%dma_wait3A_82 : memref<200x64xf32, #tpu.memory_space<hbm>>)
    %add3A_87 = arith.constant 126 : i32
    %add3A_88 = arith.addi %mul3A_2, %add3A_87 : i32
    %dma_wait3A_89 = arith.constant 2 : i32
    %dma_wait3A_90 = arith.constant 2 : i32
    %dma_wait3A_91 = arith.constant 0 : i32
    %dma_wait3A_92 = arith.constant 0 : i32
    %dma_wait3A_93 = tpu.memref_slice %arg7[%dma_wait3A_89, %dma_wait3A_91, %dma_wait3A_92] : memref<4x200x64xf32, #tpu.memory_space<vmem>> -> memref<1x200x64xf32, #tpu.memory_space<vmem>>
    %dma_wait3A_94 = tpu.memref_squeeze %dma_wait3A_93 : memref<1x200x64xf32, #tpu.memory_space<vmem>> -> memref<200x64xf32, #tpu.memory_space<vmem>>
    %dma_wait3A_95 = arith.constant 0 : i32
    %dma_wait3A_96 = arith.constant 0 : i32
    %dma_wait3A_97 = tpu.memref_slice %arg5[%add3A_88, %dma_wait3A_95, %dma_wait3A_96] : memref<4096x200x64xf32, #tpu.memory_space<hbm>> -> memref<1x200x64xf32, #tpu.memory_space<hbm>>
    %dma_wait3A_98 = tpu.memref_squeeze %dma_wait3A_97 : memref<1x200x64xf32, #tpu.memory_space<hbm>> -> memref<200x64xf32, #tpu.memory_space<hbm>>
    %dma_wait3A_99 = tpu.memref_slice %arg11[%dma_wait3A_90] : memref<4x!tpu.dma_semaphore, #tpu.memory_space<semaphore_mem>> -> memref<1x!tpu.dma_semaphore, #tpu.memory_space<semaphore_mem>>
    %dma_wait3A_100 = tpu.memref_squeeze %dma_wait3A_99 : memref<1x!tpu.dma_semaphore, #tpu.memory_space<semaphore_mem>> -> memref<!tpu.dma_semaphore, #tpu.memory_space<semaphore_mem>>
    %dma_wait3A_101 = arith.constant 0 : i32
    %dma_wait3A_102 = arith.constant 0 : i32
    %dma_wait3A_103 = tpu.memref_slice %arg5[%add3A_88, %dma_wait3A_101, %dma_wait3A_102] : memref<4096x200x64xf32, #tpu.memory_space<hbm>> -> memref<1x200x64xf32, #tpu.memory_space<hbm>>
    %dma_wait3A_104 = tpu.memref_squeeze %dma_wait3A_103 : memref<1x200x64xf32, #tpu.memory_space<hbm>> -> memref<200x64xf32, #tpu.memory_space<hbm>>
    %dma_wait3A_105 = arith.constant 0 : i32
    %dma_wait3A_106 = arith.constant 0 : i32
    %dma_wait3A_107 = tpu.memref_slice %arg7[%dma_wait3A_89, %dma_wait3A_105, %dma_wait3A_106] : memref<4x200x64xf32, #tpu.memory_space<vmem>> -> memref<1x200x64xf32, #tpu.memory_space<vmem>>
    %dma_wait3A_108 = tpu.memref_squeeze %dma_wait3A_107 : memref<1x200x64xf32, #tpu.memory_space<vmem>> -> memref<200x64xf32, #tpu.memory_space<vmem>>
    tpu.wait_dma2 semaphore(%dma_wait3A_100 : memref<!tpu.dma_semaphore, #tpu.memory_space<semaphore_mem>>) src(%dma_wait3A_108 : memref<200x64xf32, #tpu.memory_space<vmem>>) dst(%dma_wait3A_104 : memref<200x64xf32, #tpu.memory_space<hbm>>)
    %add3A_109 = arith.constant 127 : i32
    %add3A_110 = arith.addi %mul3A_2, %add3A_109 : i32
    %dma_wait3A_111 = arith.constant 3 : i32
    %dma_wait3A_112 = arith.constant 3 : i32
    %dma_wait3A_113 = arith.constant 0 : i32
    %dma_wait3A_114 = arith.constant 0 : i32
    %dma_wait3A_115 = tpu.memref_slice %arg7[%dma_wait3A_111, %dma_wait3A_113, %dma_wait3A_114] : memref<4x200x64xf32, #tpu.memory_space<vmem>> -> memref<1x200x64xf32, #tpu.memory_space<vmem>>
    %dma_wait3A_116 = tpu.memref_squeeze %dma_wait3A_115 : memref<1x200x64xf32, #tpu.memory_space<vmem>> -> memref<200x64xf32, #tpu.memory_space<vmem>>
    %dma_wait3A_117 = arith.constant 0 : i32
    %dma_wait3A_118 = arith.constant 0 : i32
    %dma_wait3A_119 = tpu.memref_slice %arg5[%add3A_110, %dma_wait3A_117, %dma_wait3A_118] : memref<4096x200x64xf32, #tpu.memory_space<hbm>> -> memref<1x200x64xf32, #tpu.memory_space<hbm>>
    %dma_wait3A_120 = tpu.memref_squeeze %dma_wait3A_119 : memref<1x200x64xf32, #tpu.memory_space<hbm>> -> memref<200x64xf32, #tpu.memory_space<hbm>>
    %dma_wait3A_121 = tpu.memref_slice %arg11[%dma_wait3A_112] : memref<4x!tpu.dma_semaphore, #tpu.memory_space<semaphore_mem>> -> memref<1x!tpu.dma_semaphore, #tpu.memory_space<semaphore_mem>>
    %dma_wait3A_122 = tpu.memref_squeeze %dma_wait3A_121 : memref<1x!tpu.dma_semaphore, #tpu.memory_space<semaphore_mem>> -> memref<!tpu.dma_semaphore, #tpu.memory_space<semaphore_mem>>
    %dma_wait3A_123 = arith.constant 0 : i32
    %dma_wait3A_124 = arith.constant 0 : i32
    %dma_wait3A_125 = tpu.memref_slice %arg5[%add3A_110, %dma_wait3A_123, %dma_wait3A_124] : memref<4096x200x64xf32, #tpu.memory_space<hbm>> -> memref<1x200x64xf32, #tpu.memory_space<hbm>>
    %dma_wait3A_126 = tpu.memref_squeeze %dma_wait3A_125 : memref<1x200x64xf32, #tpu.memory_space<hbm>> -> memref<200x64xf32, #tpu.memory_space<hbm>>
    %dma_wait3A_127 = arith.constant 0 : i32
    %dma_wait3A_128 = arith.constant 0 : i32
    %dma_wait3A_129 = tpu.memref_slice %arg7[%dma_wait3A_111, %dma_wait3A_127, %dma_wait3A_128] : memref<4x200x64xf32, #tpu.memory_space<vmem>> -> memref<1x200x64xf32, #tpu.memory_space<vmem>>
    %dma_wait3A_130 = tpu.memref_squeeze %dma_wait3A_129 : memref<1x200x64xf32, #tpu.memory_space<vmem>> -> memref<200x64xf32, #tpu.memory_space<vmem>>
    tpu.wait_dma2 semaphore(%dma_wait3A_122 : memref<!tpu.dma_semaphore, #tpu.memory_space<semaphore_mem>>) src(%dma_wait3A_130 : memref<200x64xf32, #tpu.memory_space<vmem>>) dst(%dma_wait3A_126 : memref<200x64xf32, #tpu.memory_space<hbm>>)
    return
  }
}

</mosaic_0001>

<sc_bundles>
// kernel: kernel.3.cloned.1.call-start
scs
__scs_entry_jumppad:
0x0: {  	(pc) =	sbr.rel $0x88, $3  }
0x1: {  	(tag) =	ssettag $0x0;
	lr =	simm.s32 $0x1  }
0x2: {  	[smem:$0x3F9F] =	sst lr;
	_ =	strace $0xD0000000  }
0x3: {  	_ = 	snop  }
0x4: {  	_ = 	snop  }
0x5: {  	_ = 	snop  }
0x6: {  	_ = 	snop  }
0x7: {  	_ = 	snop  }
__scs_overlays_trampoline_lowered:
0x8: {  	[smem:$0x3FAE] =	sst s0  }
0x9: {  	[smem:$0x3FAF] =	sst s1  }
0xa: {  	[smem:$0x3FB0] =	sst s2  }
0xb: {  	[smem:$0x3FB1] =	sst s3  }
0xc: {  	[smem:$0x3FB2] =	sst s4  }
0xd: {  	[smem:$0x3FB3] =	sst s5  }
0xe: {  	[smem:$0x3FB4] =	sst s6  }
0xf: {  	[smem:$0x3FB5] =	sst s7  }
0x10: {  	[smem:$0x3FB6] =	sst s8  }
0x11: {  	[smem:$0x3FB7] =	sst s9;
	s0 =	simm.s32 @!p0 $0x0  }
0x12: {  	s1 =	sld [smem:$0x3F9D];
	s0 =	simm.s32 @p0 $0x1  }
0x13: {  	[smem:$0x3FB8] =	sst s0;
	s0 =	simm.s32 @!p1 $0x0  }
0x14: {  	s2 =	sld [smem:$0x3F9C];
	s0 =	simm.s32 @p1 $0x1  }
0x15: {  	[smem:$0x3FB9] =	sst s0;
	s0 =	simm.s32 @!p2 $0x0  }
0x16: {  	s3 =	sld [smem:$0x3FDB];
	s0 =	simm.s32 @p2 $0x1  }
0x17: {  	s4 =	simm.s32 $0x1BF5;
	[smem:$0x3FBB] =	sst s0  }
0x18: {  	s0 =	sld [smem:$0x3F9E];
	_ =	swait.ge [sflag:s4], $0x0  }
0x19: {  	s7 =	sld [smem:$0x3F9F]  }
0x1a: {  	s8 =	sadd.s32 $0xFFFFE003, lr  }
0x1b: {  	s9 =	sadd.s32 $0xFFFFFEF7, lr;
	s5 =	simm.s32 $0xFFFFFFFF;
	p2 =	slt.u32 s8, $0xFFFFF086  }
0x1c: {  	p1 =	slt.u32 s9, $0xF7A;
	s5 =	simm.s32 @!p2 $0x0  }
0x1d: {  	s5 =	simm.s32 @p1 $0x1;
	p0 =	seq.s32 s7, s2  }
0x1e: {  	s7 =	smul.u32 @!p0 $0xF7A, s2;
	p2 =	seq.s32 @!p0 s5, $0x0  }
0x1f: {  	s9 =	smul.u32 $0xF7A, s1;
	s8 =	simm.s32 @!p0 $0x1BF5;
	p2 =	por !p2, p0  }
0x20: {  	[sflag:s8] =	ssyncset.s32 @!p0 $0xFFFFF086;
	s6 =	sadd.s32 @!p0 s3, s7;
	s7 =	simm.s32 @!p0 $0x108  }
0x21: {  	s3 =	sadd.s32 s3, s9;
	s6 =	sadd.s32 @!p0 $0x88, s6;
	s7 =	simm.s32 @p2 $0x1082  }
0x22: {  	[simem:s7], [sflag:s8] =	dma.local @!p0 [hbm:s6], $0xF7A  }
0x23: {  	s9 =	sor.u32 $0xD0000000, s2;
	s6 =	simm.s32 $0x108;
	_ =	swait.ge @!p0 [sflag:s8], $0x0  }
0x24: {  	s3 =	sadd.s32 $0x88, s3;
	s6 =	simm.s32 @!p1 $0x1082;
	[sflag:s4] =	ssyncset.s32 $0xFFFFF086  }
0x25: {  	[simem:s6], [sflag:s4] =	dma.local [hbm:s3], $0xF7A  }
0x26: {  	[smem:$0x3F9F] =	sst s1;
	(tag) =	ssettag s2;
	_ =	strace s9  }
0x27: {  	s1 =	sld [smem:$0x3FAF]  }
0x28: {  	s2 =	sld [smem:$0x3FB0]  }
0x29: {  	s4 =	sld [smem:$0x3FB2]  }
0x2a: {  	p0 =	seq.s32 s5, $0x0;
	s5 =	sld [smem:$0x3FB3]  }
0x2b: {  	s6 =	sld [smem:$0x3FB4]  }
0x2c: {  	s7 =	sld [smem:$0x3FB5]  }
0x2d: {  	s3 =	simm.s32 $0x108;
	s8 =	sld [smem:$0x3FB6]  }
0x2e: {  	s3 =	simm.s32 @!p0 $0x1082;
	s9 =	sld [smem:$0x3FB7]  }
0x2f: {  	lr =	sadd.s32 s0, s3;
	s0 =	sld [smem:$0x3FAE]  }
0x30: {  	s3 =	sld [smem:$0x3FB1]  }
0x31: {  	[smem:$0x3FBA] =	sst s10  }
0x32: {  	s10 =	sld [smem:$0x3FB8];
	_ =	sdelay $0x3  }
0x33: {  	p0 =	seq.s32 s10, $0x1;
	s10 =	sld [smem:$0x3FBA];
	_ =	sdelay $0x3  }
0x34: {  	[smem:$0x3FBA] =	sst s10  }
0x35: {  	s10 =	sld [smem:$0x3FB9];
	_ =	sdelay $0x3  }
0x36: {  	p1 =	seq.s32 s10, $0x1;
	s10 =	sld [smem:$0x3FBA];
	_ =	sdelay $0x3  }
0x37: {  	[smem:$0x3FBA] =	sst s10  }
0x38: {  	s10 =	sld [smem:$0x3FBB]  }
0x39: {  	_ = 	snop;
	(pc) =	sbr.ind lr, $3  }
0x3a: {  	_ = 	snop  }
0x3b: {  	_ = 	snop  }
0x3c: {  	p2 =	seq.s32 s10, $0x1;
	s10 =	sld [smem:$0x3FBA]  }
0x3d: {  	_ =	shalt  }
0x3e: {  	_ =	shalt  }
0x3f: {  	_ =	shalt  }
0x40: {  	_ =	shalt  }
0x41: {  	_ =	shalt  }
0x42: {  	_ =	shalt  }
0x43: {  	_ =	shalt  }
0x44: {  	_ =	shalt  }
0x45: {  	_ =	shalt  }
0x46: {  	_ =	shalt  }
0x47: {  	_ =	shalt  }
0x48: {  	_ =	shalt  }
0x49: {  	_ =	shalt  }
0x4a: {  	_ =	shalt  }
0x4b: {  	_ =	shalt  }
0x4c: {  	_ =	shalt  }
0x4d: {  	_ =	shalt  }
0x4e: {  	_ =	shalt  }
0x4f: {  	_ =	shalt  }
0x50: {  	_ =	shalt  }
0x51: {  	_ =	shalt  }
0x52: {  	_ =	shalt  }
0x53: {  	_ =	shalt  }
0x54: {  	_ =	shalt  }
0x55: {  	_ =	shalt  }
0x56: {  	_ =	shalt  }
0x57: {  	_ =	shalt  }
0x58: {  	_ =	shalt  }
0x59: {  	_ =	shalt  }
0x5a: {  	_ =	shalt  }
0x5b: {  	_ =	shalt  }
0x5c: {  	_ =	shalt  }
0x5d: {  	_ =	shalt  }
0x5e: {  	_ =	shalt  }
0x5f: {  	_ =	shalt  }
0x60: {  	_ =	shalt  }
0x61: {  	_ =	shalt  }
0x62: {  	_ =	shalt  }
0x63: {  	_ =	shalt  }
0x64: {  	_ =	shalt  }
0x65: {  	_ =	shalt  }
0x66: {  	_ =	shalt  }
0x67: {  	_ =	shalt  }
0x68: {  	_ =	shalt  }
0x69: {  	_ =	shalt  }
0x6a: {  	_ =	shalt  }
0x6b: {  	_ =	shalt  }
0x6c: {  	_ =	shalt  }
0x6d: {  	_ =	shalt  }
0x6e: {  	_ =	shalt  }
0x6f: {  	_ =	shalt  }
0x70: {  	_ =	shalt  }
0x71: {  	_ =	shalt  }
0x72: {  	_ =	shalt  }
0x73: {  	_ =	shalt  }
0x74: {  	_ =	shalt  }
0x75: {  	_ =	shalt  }
0x76: {  	_ =	shalt  }
0x77: {  	_ =	shalt  }
0x78: {  	_ =	shalt  }
0x79: {  	_ =	shalt  }
0x7a: {  	_ =	shalt  }
0x7b: {  	_ =	shalt  }
0x7c: {  	_ =	shalt  }
0x7d: {  	_ =	shalt  }
0x7e: {  	_ =	shalt  }
0x7f: {  	_ =	shalt  }
0x80: {  	_ =	shalt  }
0x81: {  	_ =	shalt  }
0x82: {  	_ =	shalt  }
0x83: {  	_ =	shalt  }
0x84: {  	_ =	shalt  }
0x85: {  	_ =	shalt  }
0x86: {  	_ =	shalt  }
0x87: {  	_ =	shalt  }
.Lfunc_end0:
.L_simem_size_0:
called_computation.1_lowered:
.L_overlay_start_0:
0x88: {  	s2 =	sld [smem:$0x3FD9]  }
0x89: {  	s3 =	sld [smem:$0x3FFE];
	_ =	sdelay $0x1  }
0x8a: {  	s1 =	srdreg.scid  }
0x8b: {  	s0 =	sand.u32 $0x1, s1  }
0x8c: {  	s17 =	sshll.u32 s0, $0xA;
	s2 =	sadd.s32 s3, s2  }
0x8d: {  	s2 =	sadd.s32 s2, s17  }
0x8e: {  	[smem:$0x3FC6] =	sst s2  }
0x8f: {  	_ = 	snop  }
0x90: {  	s2 =	sld [smem:$0x3FD0];
	(tm) =	ssettm $0x1  }
0x91: {  	s18 =	sld [smem:$0x3FFB];
	_ =	sdelay $0x3  }
0x92: {  	_ =	strace s18  }
0x93: {  	s3 =	sld [smem:$0x3FFC];
	_ =	sdelay $0x3  }
0x94: {  	_ =	strace s3  }
0x95: {  	s3 =	sld [smem:$0x3FFD];
	_ =	sdelay $0x3  }
0x96: {  	_ =	strace s3  }
0x97: {  	_ =	strace $0x8FFFFFFF  }
0x98: {  	s19 =	sld [smem:$0x3FDB];
	_ =	sdelay $0x1  }
0x99: {  	s4 =	simm.s32 $_scs_section_size  }
0x9a: {  	s5 =	simm.s32 $_size__tile_overlayer_lowered;
	s6 =	simm.s32 $_tile_overlayer_lowered  }
0x9b: {  	s22 =	simm.s32 $0x1BFF;
	s21 =	sshll.u32 s6, $0x1;
	s3 =	sadd.s32 s4, s19  }
0x9c: {  	s7 =	simm.s32 $0x0;
	s20 =	sshll.u32 s5, $0x1;
	s5 =	sadd.s32 s21, s3  }
0x9d: {  	[timem:s7], [sflag:s22] =	dma.local [hbm:s5], s20  }
0x9e: {  	_ =	swait.ge [sflag:s22], s20  }
0x9f: {  	s4 =	ssub.s32 $0x0, s20;
	[sflag:s22] =	ssyncset.done $0x0  }
0xa0: {  	[sflag:s22] =	ssyncadd.s32 s4;
	_ =	sdelay $0x1  }
0xa1: {  	s23 =	simm.s32 $0x1B8B  }
0xa2: {  	_ =	swait.ge [sflag:s23], $0x1  }
0xa3: {  	[sflag:s23] =	ssyncset.done $0x0  }
0xa4: {  	s25 =	simm.s32 $0x1B8E;
	s24 =	sld [smem:$0x3FFE];
	[sflag:s23] =	ssyncadd.s32 $0xFFFFFFFF  }
0xa5: {  	s26 =	simm.s32 $execute0_lowered;
	[smem:$0x3FD2] =	sst s25  }
0xa6: {  	s5 =	sshll.u32 s26, $0x1;
	_ =	strace $0x80000046;
	[dreg:$0x1] =	wrdreg $0xFFFFFFFF  }
0xa7: {  	s28 =	simm.s32 $_size_execute0_lowered;
	s3 =	sadd.s32 s3, s5;
	[dreg:$0x0] =	wrdreg $0x0  }
0xa8: {  	s5 =	sshll.u32 s28, $0x1;
	[dreg:$0x2] =	wrdreg s3  }
0xa9: {  	[dreg:$0x3] =	wrdreg s5  }
0xaa: {  	[dreg:$0x4] =	wrdreg $0xC0  }
0xab: {  	_ =	task [dreg:s7], $0x5FFFF  }
0xac: {  	[dreg:$0x1] =	wrdreg $0xFFFFFFFF  }
0xad: {  	[dreg:$0x0] =	wrdreg $0x60  }
0xae: {  	[dreg:$0x2] =	wrdreg s24  }
0xaf: {  	[dreg:$0x3] =	wrdreg s2  }
0xb0: {  	[dreg:$0x4] =	wrdreg $0x9  }
0xb1: {  	_ =	task.clear_ibuf [dreg:s7], $0x5FFFF;
	_ =	strace $0x90000046  }
0xb2: {  	s29 =	simm.s32 $0x9;
	_ =	strace $0x80000048  }
0xb3: {  	_ =	swait.ge [sflag:s29], $0x1  }
0xb4: {  	[sflag:s29] =	ssyncadd.s32 $0xFFFFFFFF  }
0xb5: {  	_ =	strace $0x90000048  }
0xb6: {  	_ =	sfence  }
0xb7: {  	s30 =	sld [smem:$0x0];
	_ =	sdelay $0x2  }
0xb8: {  	s31 =	sshll.u32 s1, $0xD;
	s1 =	sshrl.u32 s1, $0x2  }
0xb9: {  	s3 =	sand.u32 $0x4000, s31;
	s1 =	sadd.s32 s1, s30  }
0xba: {  	s0 =	sor.u32 s3, s0;
	s1 =	sshll.u32 s1, $0x11  }
0xbb: {  	s0 =	sor.u32 s1, s0  }
0xbc: {  	s0 =	sadd.s32 $0x8F2B, s0  }
0xbd: {  	[sflag:s0] =	ssyncadd.remote.s32 $0x1  }
0xbe: {  	_ =	sfence.sel $0xFFFF  }
0xbf: {  	[dreg:$0x0] =	wrdreg $0xFFFFFFFF;
	(pc) =	sbr.abs _section_cstart, $3  }
0xc0: {  	[dreg:$0x1] =	wrdreg $0xFFFFFFFF  }
0xc1: {  	_ =	task.clear_ibuf [dreg:s7], $0x2FFFF;
	_ =	strace $0x9FFFFFFF  }
0xc2: {  	(tm) =	ssettm $0x7FFFFFFF  }
0xc3: {  	_ =	shalt  }
tec
execute0_lowered:
.L_overlay_start_1:
0x0: {  	(tag) =	ssettag $0x1  }
0x1: {  	s0 =	srdreg.scid  }
0x2: {  	s1 =	rddreg [dreg:$0x0];
	s3 =	stileid.u32  }
0x3: {  	s2 =	rddreg [dreg:$0x1];
	s9 =	simm.s32 $0x1;
	s10 =	simm.s32 $0x12C00  }
0x4: {  	s11 =	simm.s32 $0xC8;
	s12 =	simm.s32 $0x6400;
	s13 =	simm.s32 $0x9600  }
0x5: {  	s14 =	simm.s32 $0xC800;
	s15 =	simm.s32 $0x2;
	s16 =	simm.s32 $0xFA00  }
0x6: {  	s17 =	simm.s32 $0x3;
	s18 =	simm.s32 $0x4;
	s19 =	simm.s32 $0x5  }
0x7: {  	s20 =	simm.s32 $0x6;
	s21 =	simm.s32 $0x7;
	s0 =	sand.u32 $0x1, s0  }
0x8: {  	s22 =	simm.s32 $0x8;
	s4 =	sshll.u32 s3, $0x8;
	s5 =	sshll.u32 s0, $0x7  }
0x9: {  	s23 =	simm.s32 $0x9;
	s3 =	simm.s32 $0x0;
	s4 =	sor.u32 s5, s4  }
0xa: {  	[smem:$0x7FF] =	sst s3;
	s0 =	ssub.s32 $0x2, s0;
	s6 =	smul.u32 $0x19, s4  }
0xb: {  	s24 =	simm.s32 $0x0;
	_ =	strace $0x80000047;
	s7 =	sshrl.u32 s0, $0x1  }
0xc: {  	s5 =	sadd.s32 $0xF43000, s1;
	s0 =	ssub.s32 s0, s7;
	s8 =	sadd.s32 s6, s1  }
0xd: {  	s6 =	sadd.s32 $0x19C00, s1;
	s7 =	sadd.s32 $0xC00, s8;
	s8 =	smax.u32 s0, $0x1  }
.LBB2_1:
0xe: {  	[tilespmem:s3], [sflag:$0x1] =	stream.linear.gather [hbm4b:s7+s3], $0x6400, $0x38;
	[tilespmem:$0x15E00] =	vst v63  }
0xf: {  	_ =	swait.ge [sflag:s9], $0x6400  }
0x10: {  	[sflag:s9] =	ssyncset.done $0x0  }
0x11: {  	[sflag:s9] =	ssyncadd.s32 $0xFFFF9C00  }
0x12: {  	[tilespmem:s10], [sflag:$0x1] =	stream.linear.gather [hbm4b:s6+s3], $0x3200, $0x38;
	[tilespmem:$0x15E00] =	vst v63  }
0x13: {  	_ =	swait.ge [sflag:s9], $0x3200  }
0x14: {  	[sflag:s9] =	ssyncset.done $0x0  }
0x15: {  	[sflag:s9] =	ssyncadd.s32 $0xFFFFCE00  }
0x16: {  	[tilespmem:s12], [sflag:$0x2] =	stream.indirect.gather [hbm4b:s5+s11], $0x40, s3, s11, $0xb8;
	[tilespmem:$0x15E00] =	vst v63  }
0x17: {  	s25 =	simm.s32 $0x0  }
0x18: {  	[tilespmem:s13], [sflag:$0x3] =	stream.indirect.gather [hbm4b:s5+s11], $0x40, s11, s11, $0xb8;
	[tilespmem:$0x15E00] =	vst v63  }
.LBB2_2:
0x19: {  	s29 =	sshll.u32 s25, $0x2;
	p0 =	seq.s32 s25, $0x0  }
0x1a: {  	s26 =	sor.u32 $0x2, s29;
	s0 =	simm.s32 @!p0 $0x8  }
0x1b: {  	_ =	swait.ge @!p0 [sflag:s0], $0x3200;
	s1 =	smul.u32 $0x320, s26  }
0x1c: {  	[sflag:s0] =	ssyncset.done @!p0 $0x0  }
0x1d: {  	[sflag:s0] =	ssyncadd.s32 @!p0 $0xFFFFCE00;
	s1 =	sshra.s32 s1, $0x2  }
0x1e: {  	[tilespmem:s14], [sflag:$0x4] =	stream.indirect.gather [hbm4b:s5+s11], $0x40, s1, s11, $0xb8;
	[tilespmem:$0x15E00] =	vst v63  }
0x1f: {  	_ =	swait.ge [sflag:s15], $0x3200  }
0x20: {  	[sflag:s15] =	ssyncset.done $0x0  }
0x21: {  	s28 =	simm.s32 $0x6500;
	[sflag:s15] =	ssyncadd.s32 $0xFFFFCE00  }
0x22: {  	s30 =	simm.s32 $0x12D00;
	v0 =	vld [tilespmem:s28+$0xC0]  }
0x23: {  	v1 =	vld [tilespmem:s30+$0xC0]  }
0x24: {  	v2 =	vld [tilespmem:s30+$0xFFFFFF00]  }
0x25: {  	v3 =	vld [tilespmem:s28+$0xFFFFFF40]  }
0x26: {  	v4 =	vld [tilespmem:s28+$0xFFFFFF80]  }
0x27: {  	v6 =	vld [tilespmem:s30+$0xFFFFFF80]  }
0x28: {  	v7 =	vld [tilespmem:s28+$0xFFFFFFC0]  }
0x29: {  	v8 =	vld [tilespmem:s30+$0xFFFFFFC0]  }
0x2a: {  	v9 =	vld [tilespmem:s28+$0x0]  }
0x2b: {  	v10 =	vld [tilespmem:s30+$0x0]  }
0x2c: {  	v11 =	vld [tilespmem:s30+$0x40]  }
0x2d: {  	v60 =	vld [tilespmem:s28+$0xFFFFFFD0]  }
0x2e: {  	v13 =	vld [tilespmem:s28+$0x10]  }
0x2f: {  	v61 =	vld [tilespmem:s28+$0xFFFFFFE0]  }
0x30: {  	v62 =	vld [tilespmem:s28+$0x60];
	v0 =	vadd.f32 v1, v0  }
0x31: {  	v1 =	vld [tilespmem:s30+$0xFFFFFF40]  }
0x32: {  	[tilespmem:s28+$0xC0] =	vst v0;
	v0 =	vld [tilespmem:s28+$0xD0]  }
0x33: {  	v5 =	vld [tilespmem:s30+$0xD0]  }
0x34: {  	v63 =	vld [tilespmem:s28+$0xFFFFFF30];
	v4 =	vadd.f32 v6, v4  }
0x35: {  	v6 =	vld [tilespmem:s30+$0x80]  }
0x36: {  	[tilespmem:s28+$0xFFFFFF80] =	vst v4;
	v4 =	vadd.f32 v10, v9;
	v10 =	vld [tilespmem:s28+$0xFFFFFF50];
	v1 =	vadd.f32 v1, v3  }
0x37: {  	v3 =	vld [tilespmem:s28+$0x80]  }
0x38: {  	[tilespmem:s28+$0xFFFFFF40] =	vst v1;
	v0 =	vadd.f32 v5, v0;
	v5 =	vld [tilespmem:s28+$0x40]  }
0x39: {  	v1 =	vadd.f32 v8, v7;
	v8 =	vld [tilespmem:s30+$0xFFFFFF50]  }
0x3a: {  	[tilespmem:s28+$0xD0] =	vst v0;
	v0 =	vld [tilespmem:s28+$0xE0]  }
0x3b: {  	[tilespmem:s28+$0x0] =	vst v4;
	v12 =	vld [tilespmem:s30+$0xE0]  }
0x3c: {  	v9 =	vld [tilespmem:s30+$0x10]  }
0x3d: {  	v7 =	vld [tilespmem:s28+$0xFFFFFF00]  }
0x3e: {  	[tilespmem:s28+$0xFFFFFFC0] =	vst v1;
	v1 =	vld [tilespmem:s30+$0xFFFFFF90]  }
0x3f: {  	v4 =	vld [tilespmem:s30+$0xFFFFFFD0];
	v8 =	vadd.f32 v8, v10  }
0x40: {  	v5 =	vadd.f32 v11, v5;
	v11 =	vld [tilespmem:s28+$0xFFFFFF90];
	v0 =	vadd.f32 v12, v0  }
0x41: {  	v10 =	vld [tilespmem:s28+$0x90];
	[tilespmem:s28+$0xFFFFFF50] =	vst v8  }
0x42: {  	v8 =	vld [tilespmem:s30+$0xFFFFFF60];
	[tilespmem:s28+$0xE0] =	vst v0;
	v0 =	vadd.f32 v2, v7  }
0x43: {  	[tilespmem:s28+$0x40] =	vst v5;
	v7 =	vld [tilespmem:s28+$0xF0];
	v2 =	vadd.f32 v6, v3  }
0x44: {  	v5 =	vld [tilespmem:s30+$0xF0];
	[tilespmem:s28+$0xFFFFFF00] =	vst v0  }
0x45: {  	v1 =	vadd.f32 v1, v11;
	[tilespmem:s28+$0x80] =	vst v2;
	v2 =	vld [tilespmem:s28+$0xFFFFFF10]  }
0x46: {  	v3 =	vld [tilespmem:s30+$0xFFFFFF10]  }
0x47: {  	[tilespmem:s28+$0xFFFFFF90] =	vst v1;
	v1 =	vadd.f32 v9, v13;
	v6 =	vld [tilespmem:s30+$0x90]  }
0x48: {  	v4 =	vadd.f32 v4, v60;
	v0 =	vld [tilespmem:s30+$0x50]  }
0x49: {  	v9 =	vld [tilespmem:s30+$0xFFFFFFA0];
	[tilespmem:s28+$0x10] =	vst v1  }
0x4a: {  	[tilespmem:s28+$0xFFFFFFD0] =	vst v4;
	v4 =	vld [tilespmem:s30+$0x20]  }
0x4b: {  	v2 =	vadd.f32 v3, v2;
	v3 =	vld [tilespmem:s28+$0x50]  }
0x4c: {  	v1 =	vadd.f32 v6, v10;
	v10 =	vld [tilespmem:s28+$0xFFFFFFA0]  }
0x4d: {  	[tilespmem:s28+$0xFFFFFF10] =	vst v2;
	v2 =	vld [tilespmem:s28+$0xFFFFFF20]  }
0x4e: {  	v11 =	vld [tilespmem:s30+$0xFFFFFF20]  }
0x4f: {  	v5 =	vadd.f32 v5, v7;
	[tilespmem:s28+$0x90] =	vst v1;
	v1 =	vld [tilespmem:s28+$0xFFFFFF60]  }
0x50: {  	v7 =	vld [tilespmem:s28+$0x30]  }
0x51: {  	[tilespmem:s28+$0xF0] =	vst v5;
	v5 =	vld [tilespmem:s28+$0x70]  }
0x52: {  	v6 =	vld [tilespmem:s30+$0xA0]  }
0x53: {  	v0 =	vadd.f32 v0, v3;
	v3 =	vld [tilespmem:s30+$0xFFFFFFE0];
	v2 =	vadd.f32 v11, v2  }
0x54: {  	v1 =	vadd.f32 v8, v1;
	v8 =	vadd.f32 v9, v10;
	v9 =	vld [tilespmem:s28+$0xFFFFFFB0]  }
0x55: {  	[tilespmem:s28+$0xFFFFFF20] =	vst v2;
	v2 =	vld [tilespmem:s28+$0xA0]  }
0x56: {  	[tilespmem:s28+$0x50] =	vst v0;
	v11 =	vld [tilespmem:s28+$0x20]  }
0x57: {  	v0 =	vld [tilespmem:s30+$0x60];
	[tilespmem:s28+$0xFFFFFF60] =	vst v1  }
0x58: {  	[tilespmem:s28+$0xFFFFFFA0] =	vst v8;
	v8 =	vld [tilespmem:s28+$0xFFFFFFF0]  }
0x59: {  	v1 =	vadd.f32 v3, v61;
	v14 =	vld [tilespmem:s30+$0xFFFFFF70]  }
0x5a: {  	v10 =	vld [tilespmem:s30+$0xFFFFFF30];
	v6 =	vadd.f32 v6, v2  }
0x5b: {  	[tilespmem:s28+$0xFFFFFFE0] =	vst v1;
	v3 =	vadd.f32 v4, v11;
	v4 =	vld [tilespmem:s30+$0xFFFFFFB0]  }
0x5c: {  	v0 =	vadd.f32 v0, v62;
	[tilespmem:s28+$0xA0] =	vst v6;
	v6 =	vld [tilespmem:s28+$0xFFFFFF70]  }
0x5d: {  	v1 =	vld [tilespmem:s30+$0xFFFFFFF0];
	[tilespmem:s28+$0x20] =	vst v3  }
0x5e: {  	[tilespmem:s28+$0x60] =	vst v0;
	v2 =	vld [tilespmem:s30+$0x30]  }
0x5f: {  	v3 =	vld [tilespmem:s30+$0x70];
	v10 =	vadd.f32 v10, v63  }
0x60: {  	v0 =	vld [tilespmem:s30+$0xB0]  }
0x61: {  	s31 =	simm.s32 $0x0;
	s1 =	simm.s32 $0x6700;
	[tilespmem:s28+$0xFFFFFF30] =	vst v10;
	v10 =	vadd.f32 v14, v6;
	v6 =	vld [tilespmem:s28+$0xB0]  }
.LBB2_3:
0x62: {  	v11 =	vld [tilespmem:s1+$0xC0];
	v4 =	vadd.f32 v4, v9;
	s30 =	sadd.s32 $0x200, s30  }
0x63: {  	s31 =	sadd.s32 $0x8, s31;
	v9 =	vld [tilespmem:s30+$0xC0];
	[tilespmem:s28+$0xFFFFFF70] =	vst v10;
	v1 =	vadd.f32 v1, v8  }
0x64: {  	p1 =	slt.u32 s31, $0xC0;
	v8 =	vld [tilespmem:s30+$0xFFFFFF00];
	[tilespmem:s28+$0xFFFFFFB0] =	vst v4;
	v2 =	vadd.f32 v2, v7  }
0x65: {  	v4 =	vld [tilespmem:s1+$0xFFFFFF40];
	[tilespmem:s28+$0xFFFFFFF0] =	vst v1;
	v1 =	vadd.f32 v3, v5  }
0x66: {  	v3 =	vld [tilespmem:s30+$0xFFFFFF40];
	[tilespmem:s28+$0x30] =	vst v2;
	v0 =	vadd.f32 v0, v6  }
0x67: {  	v2 =	vld [tilespmem:s1+$0xFFFFFF80];
	[tilespmem:s28+$0x70] =	vst v1  }
0x68: {  	v1 =	vld [tilespmem:s30+$0xFFFFFF80];
	v5 =	vadd.f32 v9, v11;
	[tilespmem:s28+$0xB0] =	vst v0;
	s28 =	smov.u32 s1  }
0x69: {  	v0 =	vld [tilespmem:s1+$0xFFFFFFC0]  }
0x6a: {  	[tilespmem:s1+$0xC0] =	vst v5;
	v5 =	vld [tilespmem:s1+$0xD0]  }
0x6b: {  	v3 =	vadd.f32 v3, v4;
	v4 =	vld [tilespmem:s30+$0xD0]  }
0x6c: {  	v6 =	vld [tilespmem:s30+$0xFFFFFFC0]  }
0x6d: {  	[tilespmem:s1+$0xFFFFFF40] =	vst v3;
	v1 =	vadd.f32 v1, v2;
	v2 =	vld [tilespmem:s1+$0x0]  }
0x6e: {  	v3 =	vld [tilespmem:s30+$0x0]  }
0x6f: {  	[tilespmem:s1+$0xFFFFFF80] =	vst v1;
	v1 =	vld [tilespmem:s1+$0x40]  }
0x70: {  	v7 =	vld [tilespmem:s30+$0x40];
	v4 =	vadd.f32 v4, v5  }
0x71: {  	v0 =	vadd.f32 v6, v0;
	v5 =	vld [tilespmem:s1+$0x80]  }
0x72: {  	[tilespmem:s1+$0xD0] =	vst v4;
	v4 =	vld [tilespmem:s1+$0xE0]  }
0x73: {  	[tilespmem:s1+$0xFFFFFFC0] =	vst v0;
	v0 =	vadd.f32 v3, v2;
	v2 =	vld [tilespmem:s30+$0xE0]  }
0x74: {  	v3 =	vld [tilespmem:s30+$0x80]  }
0x75: {  	v6 =	vld [tilespmem:s1+$0xFFFFFF00];
	[tilespmem:s1+$0x0] =	vst v0;
	v0 =	vadd.f32 v7, v1  }
0x76: {  	v1 =	vld [tilespmem:s30+$0xFFFFFF50]  }
0x77: {  	v7 =	vld [tilespmem:s30+$0xFFFFFF90];
	[tilespmem:s1+$0x40] =	vst v0  }
0x78: {  	v0 =	vld [tilespmem:s30+$0xFFFFFFD0];
	v2 =	vadd.f32 v2, v4  }
0x79: {  	v4 =	vld [tilespmem:s30+$0x10];
	v3 =	vadd.f32 v3, v5  }
0x7a: {  	v5 =	vadd.f32 v8, v6;
	[tilespmem:s1+$0xE0] =	vst v2;
	v2 =	vld [tilespmem:s1+$0xF0]  }
0x7b: {  	[tilespmem:s1+$0x80] =	vst v3;
	v3 =	vld [tilespmem:s30+$0xF0]  }
0x7c: {  	[tilespmem:s1+$0xFFFFFF00] =	vst v5;
	v5 =	vld [tilespmem:s30+$0x50]  }
0x7d: {  	v6 =	vld [tilespmem:s30+$0xFFFFFF10]  }
0x7e: {  	v8 =	vld [tilespmem:s30+$0x90]  }
0x7f: {  	v9 =	vld [tilespmem:s1+$0xFFFFFF10]  }
0x80: {  	v10 =	vld [tilespmem:s1+$0xFFFFFF50];
	v2 =	vadd.f32 v3, v2  }
0x81: {  	v3 =	vld [tilespmem:s1+$0xFFFFFF90]  }
0x82: {  	v11 =	vld [tilespmem:s1+$0xFFFFFFD0];
	[tilespmem:s1+$0xF0] =	vst v2  }
0x83: {  	v2 =	vld [tilespmem:s1+$0x10]  }
0x84: {  	v6 =	vadd.f32 v6, v9;
	v9 =	vld [tilespmem:s1+$0x50]  }
0x85: {  	v1 =	vadd.f32 v1, v10;
	v10 =	vld [tilespmem:s1+$0x90]  }
0x86: {  	[tilespmem:s1+$0xFFFFFF10] =	vst v6;
	v6 =	vld [tilespmem:s1+$0xFFFFFF20];
	v3 =	vadd.f32 v7, v3  }
0x87: {  	v7 =	vld [tilespmem:s30+$0xFFFFFF20];
	[tilespmem:s1+$0xFFFFFF50] =	vst v1;
	v0 =	vadd.f32 v0, v11  }
0x88: {  	v1 =	vld [tilespmem:s30+$0xFFFFFF60];
	[tilespmem:s1+$0xFFFFFF90] =	vst v3;
	v2 =	vadd.f32 v4, v2  }
0x89: {  	v3 =	vld [tilespmem:s30+$0xFFFFFFA0];
	[tilespmem:s1+$0xFFFFFFD0] =	vst v0;
	v0 =	vadd.f32 v5, v9  }
0x8a: {  	v4 =	vld [tilespmem:s30+$0xFFFFFFE0];
	[tilespmem:s1+$0x10] =	vst v2;
	v2 =	vadd.f32 v8, v10  }
0x8b: {  	v5 =	vld [tilespmem:s30+$0x20];
	[tilespmem:s1+$0x50] =	vst v0  }
0x8c: {  	v0 =	vadd.f32 v7, v6;
	v6 =	vld [tilespmem:s30+$0x60];
	[tilespmem:s1+$0x90] =	vst v2  }
0x8d: {  	v2 =	vld [tilespmem:s30+$0xA0]  }
0x8e: {  	[tilespmem:s1+$0xFFFFFF20] =	vst v0;
	v0 =	vld [tilespmem:s1+$0xFFFFFF60]  }
0x8f: {  	v7 =	vld [tilespmem:s1+$0xFFFFFFA0]  }
0x90: {  	v8 =	vld [tilespmem:s1+$0xFFFFFFE0]  }
0x91: {  	v9 =	vld [tilespmem:s1+$0x20]  }
0x92: {  	v10 =	vld [tilespmem:s1+$0x60]  }
0x93: {  	v0 =	vadd.f32 v1, v0;
	v11 =	vld [tilespmem:s1+$0xA0]  }
0x94: {  	v12 =	vld [tilespmem:s30+$0xFFFFFF30];
	v1 =	vadd.f32 v3, v7  }
0x95: {  	v3 =	vld [tilespmem:s1+$0xFFFFFF30];
	[tilespmem:s1+$0xFFFFFF60] =	vst v0;
	v0 =	vadd.f32 v4, v8  }
0x96: {  	v13 =	vld [tilespmem:s30+$0xFFFFFF70];
	[tilespmem:s1+$0xFFFFFFA0] =	vst v1;
	v5 =	vadd.f32 v5, v9  }
0x97: {  	v4 =	vld [tilespmem:s30+$0xFFFFFFB0];
	[tilespmem:s1+$0xFFFFFFE0] =	vst v0;
	v0 =	vadd.f32 v6, v10  }
0x98: {  	v1 =	vld [tilespmem:s30+$0xFFFFFFF0];
	[tilespmem:s1+$0x20] =	vst v5;
	v5 =	vadd.f32 v2, v11  }
0x99: {  	v2 =	vld [tilespmem:s30+$0x30];
	[tilespmem:s1+$0x60] =	vst v0  }
0x9a: {  	v6 =	vadd.f32 v12, v3;
	v3 =	vld [tilespmem:s30+$0x70];
	[tilespmem:s1+$0xA0] =	vst v5  }
0x9b: {  	v0 =	vld [tilespmem:s30+$0xB0]  }
0x9c: {  	[tilespmem:s1+$0xFFFFFF30] =	vst v6;
	v6 =	vld [tilespmem:s1+$0xFFFFFF70]  }
.Ltmp0:
0x9d: {  	v9 =	vld [tilespmem:s1+$0xFFFFFFB0];
	(pc) =	sbr.rel @p1 .LBB2_3-.Ltmp0, $4  }
0x9e: {  	v8 =	vld [tilespmem:s1+$0xFFFFFFF0]  }
0x9f: {  	v7 =	vld [tilespmem:s1+$0x30]  }
0xa0: {  	v5 =	vld [tilespmem:s1+$0x70]  }
0xa1: {  	s1 =	sadd.s32 $0x200, s1;
	v10 =	vadd.f32 v13, v6;
	v6 =	vld [tilespmem:s28+$0xB0]  }
0xa2: {  	v4 =	vadd.f32 v4, v9  }
0xa3: {  	[tilespmem:s28+$0xFFFFFF70] =	vst v10;
	v1 =	vadd.f32 v1, v8  }
0xa4: {  	[tilespmem:s28+$0xFFFFFFB0] =	vst v4;
	v2 =	vadd.f32 v2, v7  }
0xa5: {  	s0 =	sadd.s32 s4, s29;
	[tilespmem:s28+$0xFFFFFFF0] =	vst v1;
	v1 =	vadd.f32 v3, v5  }
0xa6: {  	s0 =	smul.u32 $0x640, s0;
	[tilespmem:s28+$0x30] =	vst v2;
	v0 =	vadd.f32 v0, v6  }
0xa7: {  	[tilespmem:s28+$0x70] =	vst v1  }
0xa8: {  	s0 =	sadd.s32 s2, s0;
	[tilespmem:s28+$0xB0] =	vst v0  }
0xa9: {  	[hbm4b:s0+s3] =	stream.linear.scatter [tilespmem:s12], [sflag:$0x6], $0x3200, $0x38;
	[tilespmem:$0x15E00] =	vst v63  }
0xaa: {  	s28 =	sor.u32 $0x3, s29;
	s0 =	simm.s32 @!p0 $0x9  }
0xab: {  	s1 =	smul.u32 $0x320, s28;
	_ =	swait.ge @!p0 [sflag:s0], $0x3200  }
0xac: {  	[sflag:s0] =	ssyncset.done @!p0 $0x0  }
0xad: {  	s1 =	sshra.s32 s1, $0x2;
	[sflag:s0] =	ssyncadd.s32 @!p0 $0xFFFFCE00  }
0xae: {  	[tilespmem:s16], [sflag:$0x5] =	stream.indirect.gather [hbm4b:s5+s11], $0x40, s1, s11, $0xb8;
	[tilespmem:$0x15E00] =	vst v63  }
0xaf: {  	_ =	swait.ge [sflag:s17], $0x3200  }
0xb0: {  	[sflag:s17] =	ssyncset.done $0x0  }
0xb1: {  	s30 =	simm.s32 $0x97F0;
	[sflag:s17] =	ssyncadd.s32 $0xFFFFCE00  }
0xb2: {  	s31 =	simm.s32 $0x12D00;
	v0 =	vld [tilespmem:s30+$0xFFFFFFD0]  }
0xb3: {  	v1 =	vld [tilespmem:s31+$0xC0]  }
0xb4: {  	v2 =	vld [tilespmem:s31+$0xFFFFFF00]  }
0xb5: {  	v3 =	vld [tilespmem:s30+$0xFFFFFE50]  }
0xb6: {  	v4 =	vld [tilespmem:s30+$0xFFFFFE90]  }
0xb7: {  	v6 =	vld [tilespmem:s31+$0xFFFFFF80]  }
0xb8: {  	v7 =	vld [tilespmem:s30+$0xFFFFFED0]  }
0xb9: {  	v8 =	vld [tilespmem:s31+$0xFFFFFFC0]  }
0xba: {  	v9 =	vld [tilespmem:s30+$0xFFFFFF10]  }
0xbb: {  	v10 =	vld [tilespmem:s31+$0x0]  }
0xbc: {  	v11 =	vld [tilespmem:s31+$0x40]  }
0xbd: {  	v60 =	vld [tilespmem:s30+$0xFFFFFEE0]  }
0xbe: {  	v13 =	vld [tilespmem:s30+$0xFFFFFF20]  }
0xbf: {  	v61 =	vld [tilespmem:s30+$0xFFFFFEF0]  }
0xc0: {  	v62 =	vld [tilespmem:s30+$0xFFFFFF70];
	v0 =	vadd.f32 v1, v0  }
0xc1: {  	v1 =	vld [tilespmem:s31+$0xFFFFFF40]  }
0xc2: {  	[tilespmem:s30+$0xFFFFFFD0] =	vst v0;
	v0 =	vld [tilespmem:s30+$0xFFFFFFE0]  }
0xc3: {  	v5 =	vld [tilespmem:s31+$0xD0]  }
0xc4: {  	v63 =	vld [tilespmem:s30+$0xFFFFFE40];
	v4 =	vadd.f32 v6, v4  }
0xc5: {  	v6 =	vld [tilespmem:s31+$0x80]  }
0xc6: {  	[tilespmem:s30+$0xFFFFFE90] =	vst v4;
	v4 =	vadd.f32 v10, v9;
	v10 =	vld [tilespmem:s30+$0xFFFFFE60];
	v1 =	vadd.f32 v1, v3  }
0xc7: {  	v3 =	vld [tilespmem:s30+$0xFFFFFF90]  }
0xc8: {  	[tilespmem:s30+$0xFFFFFE50] =	vst v1;
	v0 =	vadd.f32 v5, v0;
	v5 =	vld [tilespmem:s30+$0xFFFFFF50]  }
0xc9: {  	v1 =	vadd.f32 v8, v7;
	v8 =	vld [tilespmem:s31+$0xFFFFFF50]  }
0xca: {  	[tilespmem:s30+$0xFFFFFFE0] =	vst v0;
	v0 =	vld [tilespmem:s30+$0xFFFFFFF0]  }
0xcb: {  	[tilespmem:s30+$0xFFFFFF10] =	vst v4;
	v12 =	vld [tilespmem:s31+$0xE0]  }
0xcc: {  	v9 =	vld [tilespmem:s31+$0x10]  }
0xcd: {  	v7 =	vld [tilespmem:s30+$0xFFFFFE10]  }
0xce: {  	[tilespmem:s30+$0xFFFFFED0] =	vst v1;
	v1 =	vld [tilespmem:s31+$0xFFFFFF90]  }
0xcf: {  	v4 =	vld [tilespmem:s31+$0xFFFFFFD0];
	v8 =	vadd.f32 v8, v10  }
0xd0: {  	v5 =	vadd.f32 v11, v5;
	v11 =	vld [tilespmem:s30+$0xFFFFFEA0];
	v0 =	vadd.f32 v12, v0  }
0xd1: {  	v10 =	vld [tilespmem:s30+$0xFFFFFFA0];
	[tilespmem:s30+$0xFFFFFE60] =	vst v8  }
0xd2: {  	v8 =	vld [tilespmem:s31+$0xFFFFFF60];
	[tilespmem:s30+$0xFFFFFFF0] =	vst v0;
	v0 =	vadd.f32 v2, v7  }
0xd3: {  	[tilespmem:s30+$0xFFFFFF50] =	vst v5;
	v7 =	vld [tilespmem:s30+$0x0];
	v2 =	vadd.f32 v6, v3  }
0xd4: {  	v5 =	vld [tilespmem:s31+$0xF0];
	[tilespmem:s30+$0xFFFFFE10] =	vst v0  }
0xd5: {  	v1 =	vadd.f32 v1, v11;
	[tilespmem:s30+$0xFFFFFF90] =	vst v2;
	v2 =	vld [tilespmem:s30+$0xFFFFFE20]  }
0xd6: {  	v3 =	vld [tilespmem:s31+$0xFFFFFF10]  }
0xd7: {  	[tilespmem:s30+$0xFFFFFEA0] =	vst v1;
	v1 =	vadd.f32 v9, v13;
	v6 =	vld [tilespmem:s31+$0x90]  }
0xd8: {  	v4 =	vadd.f32 v4, v60;
	v0 =	vld [tilespmem:s31+$0x50]  }
0xd9: {  	v9 =	vld [tilespmem:s31+$0xFFFFFFA0];
	[tilespmem:s30+$0xFFFFFF20] =	vst v1  }
0xda: {  	[tilespmem:s30+$0xFFFFFEE0] =	vst v4;
	v4 =	vld [tilespmem:s31+$0x20]  }
0xdb: {  	v2 =	vadd.f32 v3, v2;
	v3 =	vld [tilespmem:s30+$0xFFFFFF60]  }
0xdc: {  	v1 =	vadd.f32 v6, v10;
	v10 =	vld [tilespmem:s30+$0xFFFFFEB0]  }
0xdd: {  	[tilespmem:s30+$0xFFFFFE20] =	vst v2;
	v2 =	vld [tilespmem:s30+$0xFFFFFE30]  }
0xde: {  	v11 =	vld [tilespmem:s31+$0xFFFFFF20]  }
0xdf: {  	v5 =	vadd.f32 v5, v7;
	[tilespmem:s30+$0xFFFFFFA0] =	vst v1;
	v1 =	vld [tilespmem:s30+$0xFFFFFE70]  }
0xe0: {  	v7 =	vld [tilespmem:s30+$0xFFFFFF40]  }
0xe1: {  	[tilespmem:s30+$0x0] =	vst v5;
	v5 =	vld [tilespmem:s30+$0xFFFFFF80]  }
0xe2: {  	v6 =	vld [tilespmem:s31+$0xA0]  }
0xe3: {  	v0 =	vadd.f32 v0, v3;
	v3 =	vld [tilespmem:s31+$0xFFFFFFE0];
	v2 =	vadd.f32 v11, v2  }
0xe4: {  	v1 =	vadd.f32 v8, v1;
	v8 =	vadd.f32 v9, v10;
	v9 =	vld [tilespmem:s30+$0xFFFFFEC0]  }
0xe5: {  	[tilespmem:s30+$0xFFFFFE30] =	vst v2;
	v2 =	vld [tilespmem:s30+$0xFFFFFFB0]  }
0xe6: {  	[tilespmem:s30+$0xFFFFFF60] =	vst v0;
	v11 =	vld [tilespmem:s30+$0xFFFFFF30]  }
0xe7: {  	v0 =	vld [tilespmem:s31+$0x60];
	[tilespmem:s30+$0xFFFFFE70] =	vst v1  }
0xe8: {  	[tilespmem:s30+$0xFFFFFEB0] =	vst v8;
	v8 =	vld [tilespmem:s30+$0xFFFFFF00]  }
0xe9: {  	v1 =	vadd.f32 v3, v61;
	v14 =	vld [tilespmem:s31+$0xFFFFFF70]  }
0xea: {  	v10 =	vld [tilespmem:s31+$0xFFFFFF30];
	v6 =	vadd.f32 v6, v2  }
0xeb: {  	[tilespmem:s30+$0xFFFFFEF0] =	vst v1;
	v3 =	vadd.f32 v4, v11;
	v4 =	vld [tilespmem:s31+$0xFFFFFFB0]  }
0xec: {  	v0 =	vadd.f32 v0, v62;
	[tilespmem:s30+$0xFFFFFFB0] =	vst v6;
	v6 =	vld [tilespmem:s30+$0xFFFFFE80]  }
0xed: {  	v1 =	vld [tilespmem:s31+$0xFFFFFFF0];
	[tilespmem:s30+$0xFFFFFF30] =	vst v3  }
0xee: {  	[tilespmem:s30+$0xFFFFFF70] =	vst v0;
	v2 =	vld [tilespmem:s31+$0x30]  }
0xef: {  	v3 =	vld [tilespmem:s31+$0x70];
	v10 =	vadd.f32 v10, v63  }
0xf0: {  	v0 =	vld [tilespmem:s31+$0xB0]  }
0xf1: {  	s29 =	sor.u32 $0x1, s29;
	s0 =	simm.s32 $0x99F0;
	s1 =	simm.s32 $0x0;
	[tilespmem:s30+$0xFFFFFE40] =	vst v10;
	v10 =	vadd.f32 v14, v6;
	v6 =	vld [tilespmem:s30+$0xFFFFFFC0]  }
.LBB2_5:
0xf2: {  	v11 =	vld [tilespmem:s0+$0xFFFFFFD0];
	v4 =	vadd.f32 v4, v9;
	s31 =	sadd.s32 $0x200, s31  }
0xf3: {  	s1 =	sadd.s32 $0x8, s1;
	v9 =	vld [tilespmem:s31+$0xC0];
	[tilespmem:s30+$0xFFFFFE80] =	vst v10;
	v1 =	vadd.f32 v1, v8  }
0xf4: {  	p0 =	slt.u32 s1, $0xC0;
	v8 =	vld [tilespmem:s31+$0xFFFFFF00];
	[tilespmem:s30+$0xFFFFFEC0] =	vst v4;
	v2 =	vadd.f32 v2, v7  }
0xf5: {  	v4 =	vld [tilespmem:s0+$0xFFFFFE50];
	[tilespmem:s30+$0xFFFFFF00] =	vst v1;
	v1 =	vadd.f32 v3, v5  }
0xf6: {  	v3 =	vld [tilespmem:s31+$0xFFFFFF40];
	[tilespmem:s30+$0xFFFFFF40] =	vst v2;
	v0 =	vadd.f32 v0, v6  }
0xf7: {  	v2 =	vld [tilespmem:s0+$0xFFFFFE90];
	[tilespmem:s30+$0xFFFFFF80] =	vst v1  }
0xf8: {  	v1 =	vld [tilespmem:s31+$0xFFFFFF80];
	v5 =	vadd.f32 v9, v11;
	[tilespmem:s30+$0xFFFFFFC0] =	vst v0;
	s30 =	smov.u32 s0  }
0xf9: {  	v0 =	vld [tilespmem:s0+$0xFFFFFED0]  }
0xfa: {  	[tilespmem:s0+$0xFFFFFFD0] =	vst v5;
	v5 =	vld [tilespmem:s0+$0xFFFFFFE0]  }
0xfb: {  	v3 =	vadd.f32 v3, v4;
	v4 =	vld [tilespmem:s31+$0xD0]  }
0xfc: {  	v6 =	vld [tilespmem:s31+$0xFFFFFFC0]  }
0xfd: {  	[tilespmem:s0+$0xFFFFFE50] =	vst v3;
	v1 =	vadd.f32 v1, v2;
	v2 =	vld [tilespmem:s0+$0xFFFFFF10]  }
0xfe: {  	v3 =	vld [tilespmem:s31+$0x0]  }
0xff: {  	[tilespmem:s0+$0xFFFFFE90] =	vst v1;
	v1 =	vld [tilespmem:s0+$0xFFFFFF50]  }
0x100: {  	v7 =	vld [tilespmem:s31+$0x40];
	v4 =	vadd.f32 v4, v5  }
0x101: {  	v0 =	vadd.f32 v6, v0;
	v5 =	vld [tilespmem:s0+$0xFFFFFF90]  }
0x102: {  	[tilespmem:s0+$0xFFFFFFE0] =	vst v4;
	v4 =	vld [tilespmem:s0+$0xFFFFFFF0]  }
0x103: {  	[tilespmem:s0+$0xFFFFFED0] =	vst v0;
	v0 =	vadd.f32 v3, v2;
	v2 =	vld [tilespmem:s31+$0xE0]  }
0x104: {  	v3 =	vld [tilespmem:s31+$0x80]  }
0x105: {  	v6 =	vld [tilespmem:s0+$0xFFFFFE10];
	[tilespmem:s0+$0xFFFFFF10] =	vst v0;
	v0 =	vadd.f32 v7, v1  }
0x106: {  	v1 =	vld [tilespmem:s31+$0xFFFFFF50]  }
0x107: {  	v7 =	vld [tilespmem:s31+$0xFFFFFF90];
	[tilespmem:s0+$0xFFFFFF50] =	vst v0  }
0x108: {  	v0 =	vld [tilespmem:s31+$0xFFFFFFD0];
	v2 =	vadd.f32 v2, v4  }
0x109: {  	v4 =	vld [tilespmem:s31+$0x10];
	v3 =	vadd.f32 v3, v5  }
0x10a: {  	v5 =	vadd.f32 v8, v6;
	[tilespmem:s0+$0xFFFFFFF0] =	vst v2;
	v2 =	vld [tilespmem:s0+$0x0]  }
0x10b: {  	[tilespmem:s0+$0xFFFFFF90] =	vst v3;
	v3 =	vld [tilespmem:s31+$0xF0]  }
0x10c: {  	[tilespmem:s0+$0xFFFFFE10] =	vst v5;
	v5 =	vld [tilespmem:s31+$0x50]  }
0x10d: {  	v6 =	vld [tilespmem:s31+$0xFFFFFF10]  }
0x10e: {  	v8 =	vld [tilespmem:s31+$0x90]  }
0x10f: {  	v9 =	vld [tilespmem:s0+$0xFFFFFE20]  }
0x110: {  	v10 =	vld [tilespmem:s0+$0xFFFFFE60];
	v2 =	vadd.f32 v3, v2  }
0x111: {  	v3 =	vld [tilespmem:s0+$0xFFFFFEA0]  }
0x112: {  	v11 =	vld [tilespmem:s0+$0xFFFFFEE0];
	[tilespmem:s0+$0x0] =	vst v2  }
0x113: {  	v2 =	vld [tilespmem:s0+$0xFFFFFF20]  }
0x114: {  	v6 =	vadd.f32 v6, v9;
	v9 =	vld [tilespmem:s0+$0xFFFFFF60]  }
0x115: {  	v1 =	vadd.f32 v1, v10;
	v10 =	vld [tilespmem:s0+$0xFFFFFFA0]  }
0x116: {  	[tilespmem:s0+$0xFFFFFE20] =	vst v6;
	v6 =	vld [tilespmem:s0+$0xFFFFFE30];
	v3 =	vadd.f32 v7, v3  }
0x117: {  	v7 =	vld [tilespmem:s31+$0xFFFFFF20];
	[tilespmem:s0+$0xFFFFFE60] =	vst v1;
	v0 =	vadd.f32 v0, v11  }
0x118: {  	v1 =	vld [tilespmem:s31+$0xFFFFFF60];
	[tilespmem:s0+$0xFFFFFEA0] =	vst v3;
	v2 =	vadd.f32 v4, v2  }
0x119: {  	v3 =	vld [tilespmem:s31+$0xFFFFFFA0];
	[tilespmem:s0+$0xFFFFFEE0] =	vst v0;
	v0 =	vadd.f32 v5, v9  }
0x11a: {  	v4 =	vld [tilespmem:s31+$0xFFFFFFE0];
	[tilespmem:s0+$0xFFFFFF20] =	vst v2;
	v2 =	vadd.f32 v8, v10  }
0x11b: {  	v5 =	vld [tilespmem:s31+$0x20];
	[tilespmem:s0+$0xFFFFFF60] =	vst v0  }
0x11c: {  	v0 =	vadd.f32 v7, v6;
	v6 =	vld [tilespmem:s31+$0x60];
	[tilespmem:s0+$0xFFFFFFA0] =	vst v2  }
0x11d: {  	v2 =	vld [tilespmem:s31+$0xA0]  }
0x11e: {  	[tilespmem:s0+$0xFFFFFE30] =	vst v0;
	v0 =	vld [tilespmem:s0+$0xFFFFFE70]  }
0x11f: {  	v7 =	vld [tilespmem:s0+$0xFFFFFEB0]  }
0x120: {  	v8 =	vld [tilespmem:s0+$0xFFFFFEF0]  }
0x121: {  	v9 =	vld [tilespmem:s0+$0xFFFFFF30]  }
0x122: {  	v10 =	vld [tilespmem:s0+$0xFFFFFF70]  }
0x123: {  	v0 =	vadd.f32 v1, v0;
	v11 =	vld [tilespmem:s0+$0xFFFFFFB0]  }
0x124: {  	v12 =	vld [tilespmem:s31+$0xFFFFFF30];
	v1 =	vadd.f32 v3, v7  }
0x125: {  	v3 =	vld [tilespmem:s0+$0xFFFFFE40];
	[tilespmem:s0+$0xFFFFFE70] =	vst v0;
	v0 =	vadd.f32 v4, v8  }
0x126: {  	v13 =	vld [tilespmem:s31+$0xFFFFFF70];
	[tilespmem:s0+$0xFFFFFEB0] =	vst v1;
	v5 =	vadd.f32 v5, v9  }
0x127: {  	v4 =	vld [tilespmem:s31+$0xFFFFFFB0];
	[tilespmem:s0+$0xFFFFFEF0] =	vst v0;
	v0 =	vadd.f32 v6, v10  }
0x128: {  	v1 =	vld [tilespmem:s31+$0xFFFFFFF0];
	[tilespmem:s0+$0xFFFFFF30] =	vst v5;
	v5 =	vadd.f32 v2, v11  }
0x129: {  	v2 =	vld [tilespmem:s31+$0x30];
	[tilespmem:s0+$0xFFFFFF70] =	vst v0  }
0x12a: {  	v6 =	vadd.f32 v12, v3;
	v3 =	vld [tilespmem:s31+$0x70];
	[tilespmem:s0+$0xFFFFFFB0] =	vst v5  }
0x12b: {  	v0 =	vld [tilespmem:s31+$0xB0]  }
0x12c: {  	[tilespmem:s0+$0xFFFFFE40] =	vst v6;
	v6 =	vld [tilespmem:s0+$0xFFFFFE80]  }
.Ltmp1:
0x12d: {  	v9 =	vld [tilespmem:s0+$0xFFFFFEC0];
	(pc) =	sbr.rel @p0 .LBB2_5-.Ltmp1, $4  }
0x12e: {  	v8 =	vld [tilespmem:s0+$0xFFFFFF00]  }
0x12f: {  	v7 =	vld [tilespmem:s0+$0xFFFFFF40]  }
0x130: {  	v5 =	vld [tilespmem:s0+$0xFFFFFF80]  }
0x131: {  	s0 =	sadd.s32 $0x200, s0;
	v10 =	vadd.f32 v13, v6;
	v6 =	vld [tilespmem:s30+$0xFFFFFFC0]  }
0x132: {  	v4 =	vadd.f32 v4, v9  }
0x133: {  	[tilespmem:s30+$0xFFFFFE80] =	vst v10;
	v1 =	vadd.f32 v1, v8  }
0x134: {  	[tilespmem:s30+$0xFFFFFEC0] =	vst v4;
	v2 =	vadd.f32 v2, v7  }
0x135: {  	s0 =	sadd.s32 s4, s29;
	[tilespmem:s30+$0xFFFFFF00] =	vst v1;
	v1 =	vadd.f32 v3, v5  }
0x136: {  	s0 =	smul.u32 $0x640, s0;
	[tilespmem:s30+$0xFFFFFF40] =	vst v2;
	v0 =	vadd.f32 v0, v6  }
0x137: {  	[tilespmem:s30+$0xFFFFFF80] =	vst v1  }
0x138: {  	p0 =	seq.s32 s25, $0x1F;
	s0 =	sadd.s32 s2, s0;
	[tilespmem:s30+$0xFFFFFFC0] =	vst v0  }
0x139: {  	[hbm4b:s0+s3] =	stream.linear.scatter [tilespmem:s13], [sflag:$0x7], $0x3200, $0x38;
	[tilespmem:$0x15E00] =	vst v63  }
0x13a: {  	s1 =	smul.u32 @!p0 $0xC80, s25;
	s0 =	simm.s32 @!p0 $0x6  }
0x13b: {  	_ =	swait.ge @!p0 [sflag:s0], $0x3200  }
0x13c: {  	s29 =	sshra.s32 @!p0 s1, $0x2;
	s1 =	simm.s32 @!p0 $0xC8;
	[sflag:s0] =	ssyncset.done @!p0 $0x0  }
0x13d: {  	s30 =	simm.s32 @!p0 $0x6400;
	[sflag:s0] =	ssyncadd.s32 @!p0 $0xFFFFCE00;
	s0 =	sadd.s32 @!p0 $0x320, s29  }
0x13e: {  	[tilespmem:s30], [sflag:$0x2] =	stream.indirect.gather @!p0 [hbm4b:s5+s1], $0x40, s0, s1, $0xb8;
	[tilespmem:$0x15E00] =	vst v63  }
0x13f: {  	_ =	swait.ge [sflag:s18], $0x3200  }
0x140: {  	[sflag:s18] =	ssyncset.done $0x0  }
0x141: {  	s30 =	simm.s32 $0x0;
	[sflag:s18] =	ssyncadd.s32 $0xFFFFCE00  }
0x142: {  	v0 =	vld [tilespmem:s30+$0xC9F0]  }
0x143: {  	v1 =	vld [tilespmem:s30+$0x12DF0]  }
0x144: {  	v2 =	vld [tilespmem:s30+$0xC800]  }
0x145: {  	v3 =	vld [tilespmem:s30+$0x12C00]  }
0x146: {  	v4 =	vld [tilespmem:s30+$0xC810]  }
0x147: {  	v5 =	vld [tilespmem:s30+$0x12C10]  }
0x148: {  	v6 =	vld [tilespmem:s30+$0xC820]  }
0x149: {  	v7 =	vld [tilespmem:s30+$0x12C20]  }
0x14a: {  	v48 =	vld [tilespmem:s30+$0xC830]  }
0x14b: {  	v49 =	vld [tilespmem:s30+$0x12C30]  }
0x14c: {  	v50 =	vld [tilespmem:s30+$0xC840]  }
0x14d: {  	v11 =	vld [tilespmem:s30+$0x12C40]  }
0x14e: {  	v12 =	vld [tilespmem:s30+$0xC850]  }
0x14f: {  	v13 =	vld [tilespmem:s30+$0x12C50]  }
0x150: {  	v14 =	vld [tilespmem:s30+$0xC860]  }
0x151: {  	v15 =	vld [tilespmem:s30+$0x12C60]  }
0x152: {  	v16 =	vld [tilespmem:s30+$0xC870]  }
0x153: {  	v17 =	vld [tilespmem:s30+$0x12C70]  }
0x154: {  	v18 =	vld [tilespmem:s30+$0xC880]  }
0x155: {  	v19 =	vld [tilespmem:s30+$0x12C80]  }
0x156: {  	v20 =	vld [tilespmem:s30+$0xC890]  }
0x157: {  	v21 =	vld [tilespmem:s30+$0x12C90]  }
0x158: {  	v22 =	vld [tilespmem:s30+$0xC8A0]  }
0x159: {  	v23 =	vld [tilespmem:s30+$0x12CA0]  }
0x15a: {  	v24 =	vld [tilespmem:s30+$0xC8B0]  }
0x15b: {  	v25 =	vld [tilespmem:s30+$0x12CB0]  }
0x15c: {  	v26 =	vld [tilespmem:s30+$0xC8C0]  }
0x15d: {  	v27 =	vld [tilespmem:s30+$0x12CC0]  }
0x15e: {  	v28 =	vld [tilespmem:s30+$0xC8D0]  }
0x15f: {  	v29 =	vld [tilespmem:s30+$0x12CD0]  }
0x160: {  	v30 =	vld [tilespmem:s30+$0xC8E0]  }
0x161: {  	v31 =	vld [tilespmem:s30+$0x12CE0]  }
0x162: {  	v32 =	vld [tilespmem:s30+$0xC8F0]  }
0x163: {  	v51 =	vld [tilespmem:s30+$0x12D20];
	v0 =	vadd.f32 v1, v0  }
0x164: {  	v52 =	vld [tilespmem:s30+$0xC930];
	v2 =	vadd.f32 v3, v2  }
0x165: {  	v53 =	vld [tilespmem:s30+$0x12D30];
	[tilespmem:s30+$0xC9F0] =	vst v0;
	v0 =	vadd.f32 v5, v4  }
0x166: {  	v54 =	vld [tilespmem:s30+$0xC940];
	[tilespmem:s30+$0xC800] =	vst v2;
	v2 =	vadd.f32 v7, v6  }
0x167: {  	v55 =	vld [tilespmem:s30+$0x12D40];
	[tilespmem:s30+$0xC810] =	vst v0;
	v0 =	vadd.f32 v49, v48  }
0x168: {  	v56 =	vld [tilespmem:s30+$0xC950];
	[tilespmem:s30+$0xC820] =	vst v2;
	v2 =	vadd.f32 v11, v50  }
0x169: {  	v57 =	vld [tilespmem:s30+$0x12D50];
	[tilespmem:s30+$0xC830] =	vst v0;
	v0 =	vadd.f32 v13, v12  }
0x16a: {  	v58 =	vld [tilespmem:s30+$0xC960];
	[tilespmem:s30+$0xC840] =	vst v2;
	v2 =	vadd.f32 v15, v14  }
0x16b: {  	v59 =	vld [tilespmem:s30+$0x12D60];
	[tilespmem:s30+$0xC850] =	vst v0;
	v0 =	vadd.f32 v17, v16  }
0x16c: {  	v1 =	vld [tilespmem:s30+$0x12CF0];
	[tilespmem:s30+$0xC860] =	vst v2;
	v2 =	vadd.f32 v19, v18  }
0x16d: {  	v3 =	vld [tilespmem:s30+$0xC900];
	[tilespmem:s30+$0xC870] =	vst v0;
	v0 =	vadd.f32 v21, v20  }
0x16e: {  	v4 =	vld [tilespmem:s30+$0x12D00];
	[tilespmem:s30+$0xC880] =	vst v2;
	v2 =	vadd.f32 v23, v22  }
0x16f: {  	v5 =	vld [tilespmem:s30+$0xC910];
	[tilespmem:s30+$0xC890] =	vst v0;
	v0 =	vadd.f32 v25, v24  }
0x170: {  	v6 =	vld [tilespmem:s30+$0x12D10];
	[tilespmem:s30+$0xC8A0] =	vst v2;
	v2 =	vadd.f32 v27, v26  }
0x171: {  	v7 =	vld [tilespmem:s30+$0xC920];
	[tilespmem:s30+$0xC8B0] =	vst v0;
	v0 =	vadd.f32 v29, v28  }
0x172: {  	v60 =	vld [tilespmem:s30+$0xC970];
	[tilespmem:s30+$0xC8C0] =	vst v2;
	v2 =	vadd.f32 v31, v30  }
0x173: {  	v61 =	vld [tilespmem:s30+$0x12DA0];
	[tilespmem:s30+$0xC8D0] =	vst v0;
	v0 =	vadd.f32 v1, v32  }
0x174: {  	v1 =	vld [tilespmem:s30+$0x12D70];
	[tilespmem:s30+$0xC8E0] =	vst v2;
	v2 =	vadd.f32 v4, v3  }
0x175: {  	v3 =	vld [tilespmem:s30+$0xC980];
	[tilespmem:s30+$0xC8F0] =	vst v0;
	v0 =	vadd.f32 v6, v5  }
0x176: {  	v4 =	vld [tilespmem:s30+$0x12D80];
	[tilespmem:s30+$0xC900] =	vst v2;
	v2 =	vadd.f32 v51, v7  }
0x177: {  	v5 =	vld [tilespmem:s30+$0xC990];
	[tilespmem:s30+$0xC910] =	vst v0;
	v0 =	vadd.f32 v53, v52  }
0x178: {  	v6 =	vld [tilespmem:s30+$0x12D90];
	[tilespmem:s30+$0xC920] =	vst v2;
	v2 =	vadd.f32 v55, v54  }
0x179: {  	v7 =	vld [tilespmem:s30+$0xC9A0];
	v1 =	vadd.f32 v1, v60;
	[tilespmem:s30+$0xC930] =	vst v0  }
0x17a: {  	v62 =	vld [tilespmem:s30+$0xC9B0];
	v0 =	vadd.f32 v57, v56;
	[tilespmem:s30+$0xC940] =	vst v2  }
0x17b: {  	v63 =	vld [tilespmem:s30+$0x12DB0];
	v2 =	vadd.f32 v59, v58;
	[tilespmem:s30+$0xC970] =	vst v1  }
0x17c: {  	v3 =	vadd.f32 v4, v3;
	[tilespmem:s30+$0xC950] =	vst v0;
	v0 =	vld [tilespmem:s30+$0xC9C0]  }
0x17d: {  	v4 =	vadd.f32 v6, v5;
	[tilespmem:s30+$0xC960] =	vst v2;
	v2 =	vld [tilespmem:s30+$0x12DC0]  }
0x17e: {  	[tilespmem:s30+$0xC980] =	vst v3;
	v3 =	vadd.f32 v61, v7;
	v1 =	vld [tilespmem:s30+$0xC9D0]  }
0x17f: {  	[tilespmem:s30+$0xC990] =	vst v4;
	v4 =	vld [tilespmem:s30+$0x12DD0]  }
0x180: {  	s1 =	simm.s32 $0x0;
	s0 =	simm.s32 $0x800;
	v5 =	vadd.f32 v63, v62;
	[tilespmem:s30+$0xC9A0] =	vst v3;
	v3 =	vld [tilespmem:s30+$0xC9E0]  }
.LBB2_7:
0x181: {  	s31 =	sshra.s32 s0, $0x2;
	v6 =	vld [tilespmem:s30+$0x12DE0]  }
0x182: {  	s1 =	sadd.s32 $0x8, s1;
	v7 =	vld [tilespmem:s31+$0xC9F0];
	[tilespmem:s30+$0xC9B0] =	vst v5;
	v0 =	vadd.f32 v2, v0  }
0x183: {  	p1 =	slt.u32 s1, $0xC0;
	v2 =	vld [tilespmem:s31+$0x12DF0]  }
0x184: {  	v5 =	vld [tilespmem:s31+$0xC800];
	[tilespmem:s30+$0xC9C0] =	vst v0;
	v0 =	vadd.f32 v4, v1  }
0x185: {  	v1 =	vld [tilespmem:s31+$0x12C00]  }
0x186: {  	v4 =	vld [tilespmem:s31+$0xC810];
	[tilespmem:s30+$0xC9D0] =	vst v0;
	v0 =	vadd.f32 v6, v3  }
0x187: {  	v3 =	vld [tilespmem:s31+$0x12C10]  }
0x188: {  	v6 =	vld [tilespmem:s31+$0xC820];
	v2 =	vadd.f32 v2, v7;
	[tilespmem:s30+$0xC9E0] =	vst v0;
	s30 =	smov.u32 s31  }
0x189: {  	v0 =	vld [tilespmem:s30+$0x12C20]  }
0x18a: {  	v1 =	vadd.f32 v1, v5;
	v5 =	vld [tilespmem:s30+$0xC830];
	[tilespmem:s30+$0xC9F0] =	vst v2  }
0x18b: {  	v2 =	vld [tilespmem:s30+$0x12C30]  }
0x18c: {  	[tilespmem:s30+$0xC800] =	vst v1;
	v1 =	vadd.f32 v3, v4;
	v3 =	vld [tilespmem:s30+$0xC840]  }
0x18d: {  	v4 =	vld [tilespmem:s30+$0x12C40]  }
0x18e: {  	[tilespmem:s30+$0xC810] =	vst v1;
	v0 =	vadd.f32 v0, v6;
	v1 =	vld [tilespmem:s30+$0xC850]  }
0x18f: {  	v6 =	vld [tilespmem:s30+$0x12C50]  }
0x190: {  	[tilespmem:s30+$0xC820] =	vst v0;
	v0 =	vadd.f32 v2, v5;
	v2 =	vld [tilespmem:s30+$0xC860]  }
0x191: {  	v5 =	vld [tilespmem:s30+$0x12C60]  }
0x192: {  	[tilespmem:s30+$0xC830] =	vst v0;
	v0 =	vadd.f32 v4, v3;
	v3 =	vld [tilespmem:s30+$0xC870]  }
0x193: {  	v4 =	vld [tilespmem:s30+$0x12C70]  }
0x194: {  	[tilespmem:s30+$0xC840] =	vst v0;
	v0 =	vadd.f32 v6, v1;
	v1 =	vld [tilespmem:s30+$0xC880]  }
0x195: {  	v6 =	vld [tilespmem:s30+$0x12C80]  }
0x196: {  	[tilespmem:s30+$0xC850] =	vst v0;
	v0 =	vadd.f32 v5, v2;
	v2 =	vld [tilespmem:s30+$0xC890]  }
0x197: {  	v5 =	vld [tilespmem:s30+$0x12C90]  }
0x198: {  	[tilespmem:s30+$0xC860] =	vst v0;
	v0 =	vadd.f32 v4, v3;
	v3 =	vld [tilespmem:s30+$0xC8A0]  }
0x199: {  	v4 =	vld [tilespmem:s30+$0x12CA0]  }
0x19a: {  	[tilespmem:s30+$0xC870] =	vst v0;
	v0 =	vadd.f32 v6, v1;
	v1 =	vld [tilespmem:s30+$0xC8B0]  }
0x19b: {  	v6 =	vld [tilespmem:s30+$0x12CB0]  }
0x19c: {  	[tilespmem:s30+$0xC880] =	vst v0;
	v0 =	vadd.f32 v5, v2;
	v2 =	vld [tilespmem:s30+$0xC8C0]  }
0x19d: {  	v5 =	vld [tilespmem:s30+$0x12CC0]  }
0x19e: {  	[tilespmem:s30+$0xC890] =	vst v0;
	v0 =	vadd.f32 v4, v3;
	v3 =	vld [tilespmem:s30+$0xC8D0]  }
0x19f: {  	v4 =	vld [tilespmem:s30+$0x12CD0]  }
0x1a0: {  	[tilespmem:s30+$0xC8A0] =	vst v0;
	v0 =	vadd.f32 v6, v1;
	v1 =	vld [tilespmem:s30+$0xC8E0]  }
0x1a1: {  	v6 =	vld [tilespmem:s30+$0x12CE0]  }
0x1a2: {  	[tilespmem:s30+$0xC8B0] =	vst v0;
	v0 =	vadd.f32 v5, v2;
	v2 =	vld [tilespmem:s30+$0xC8F0]  }
0x1a3: {  	v5 =	vld [tilespmem:s30+$0x12CF0]  }
0x1a4: {  	[tilespmem:s30+$0xC8C0] =	vst v0;
	v0 =	vadd.f32 v4, v3;
	v3 =	vld [tilespmem:s30+$0xC900]  }
0x1a5: {  	v4 =	vld [tilespmem:s30+$0x12D00]  }
0x1a6: {  	[tilespmem:s30+$0xC8D0] =	vst v0;
	v0 =	vadd.f32 v6, v1;
	v1 =	vld [tilespmem:s30+$0xC910]  }
0x1a7: {  	v6 =	vld [tilespmem:s30+$0x12D10]  }
0x1a8: {  	[tilespmem:s30+$0xC8E0] =	vst v0;
	v0 =	vadd.f32 v5, v2;
	v2 =	vld [tilespmem:s30+$0xC920]  }
0x1a9: {  	v5 =	vld [tilespmem:s30+$0x12D20]  }
0x1aa: {  	[tilespmem:s30+$0xC8F0] =	vst v0;
	v0 =	vadd.f32 v4, v3;
	v3 =	vld [tilespmem:s30+$0xC930]  }
0x1ab: {  	v4 =	vld [tilespmem:s30+$0x12D30]  }
0x1ac: {  	[tilespmem:s30+$0xC900] =	vst v0;
	v0 =	vadd.f32 v6, v1;
	v1 =	vld [tilespmem:s30+$0xC940]  }
0x1ad: {  	v6 =	vld [tilespmem:s30+$0x12D40]  }
0x1ae: {  	[tilespmem:s30+$0xC910] =	vst v0;
	v0 =	vadd.f32 v5, v2;
	v2 =	vld [tilespmem:s30+$0xC950]  }
0x1af: {  	v5 =	vld [tilespmem:s30+$0x12D50]  }
0x1b0: {  	[tilespmem:s30+$0xC920] =	vst v0;
	v0 =	vadd.f32 v4, v3;
	v3 =	vld [tilespmem:s30+$0xC960]  }
0x1b1: {  	v4 =	vld [tilespmem:s30+$0x12D60]  }
0x1b2: {  	[tilespmem:s30+$0xC930] =	vst v0;
	v0 =	vadd.f32 v6, v1;
	v1 =	vld [tilespmem:s30+$0xC970]  }
0x1b3: {  	v6 =	vld [tilespmem:s30+$0x12D70]  }
0x1b4: {  	[tilespmem:s30+$0xC940] =	vst v0;
	v0 =	vadd.f32 v5, v2;
	v2 =	vld [tilespmem:s30+$0xC980]  }
0x1b5: {  	v5 =	vld [tilespmem:s30+$0x12D80]  }
0x1b6: {  	[tilespmem:s30+$0xC950] =	vst v0;
	v0 =	vadd.f32 v4, v3;
	v3 =	vld [tilespmem:s30+$0xC990]  }
0x1b7: {  	v4 =	vld [tilespmem:s30+$0x12D90]  }
0x1b8: {  	[tilespmem:s30+$0xC960] =	vst v0;
	v0 =	vadd.f32 v6, v1;
	v1 =	vld [tilespmem:s30+$0xC9A0]  }
0x1b9: {  	v6 =	vld [tilespmem:s30+$0x12DA0]  }
0x1ba: {  	[tilespmem:s30+$0xC970] =	vst v0;
	v0 =	vadd.f32 v5, v2;
	v5 =	vld [tilespmem:s30+$0xC9B0]  }
0x1bb: {  	v7 =	vld [tilespmem:s30+$0x12DB0]  }
.Ltmp2:
0x1bc: {  	[tilespmem:s30+$0xC980] =	vst v0;
	v3 =	vadd.f32 v4, v3;
	v0 =	vld [tilespmem:s30+$0xC9C0];
	(pc) =	sbr.rel @p1 .LBB2_7-.Ltmp2, $4  }
0x1bd: {  	v2 =	vld [tilespmem:s30+$0x12DC0]  }
0x1be: {  	[tilespmem:s30+$0xC990] =	vst v3;
	v3 =	vadd.f32 v6, v1;
	v1 =	vld [tilespmem:s30+$0xC9D0]  }
0x1bf: {  	v4 =	vld [tilespmem:s30+$0x12DD0]  }
0x1c0: {  	s0 =	sadd.s32 $0x800, s0;
	[tilespmem:s30+$0xC9A0] =	vst v3;
	v5 =	vadd.f32 v7, v5;
	v3 =	vld [tilespmem:s30+$0xC9E0]  }
0x1c1: {  	v6 =	vld [tilespmem:s30+$0x12DE0];
	_ =	sdelay $0x2  }
0x1c2: {  	v0 =	vadd.f32 v2, v0  }
0x1c3: {  	s0 =	sadd.s32 s4, s26;
	[tilespmem:s30+$0xC9B0] =	vst v5;
	v1 =	vadd.f32 v4, v1  }
0x1c4: {  	s0 =	smul.u32 $0x640, s0;
	[tilespmem:s30+$0xC9C0] =	vst v0;
	v0 =	vadd.f32 v6, v3  }
0x1c5: {  	[tilespmem:s30+$0xC9D0] =	vst v1  }
0x1c6: {  	s0 =	sadd.s32 s2, s0;
	[tilespmem:s30+$0xC9E0] =	vst v0  }
0x1c7: {  	[hbm4b:s0+s3] =	stream.linear.scatter [tilespmem:s14], [sflag:$0x8], $0x3200, $0x38;
	[tilespmem:$0x15E00] =	vst v63  }
0x1c8: {  	s0 =	simm.s32 @!p0 $0x7  }
0x1c9: {  	_ =	swait.ge @!p0 [sflag:s0], $0x3200  }
0x1ca: {  	s1 =	simm.s32 @!p0 $0xC8;
	[sflag:s0] =	ssyncset.done @!p0 $0x0  }
0x1cb: {  	s26 =	simm.s32 @!p0 $0x9600;
	[sflag:s0] =	ssyncadd.s32 @!p0 $0xFFFFCE00;
	s0 =	sadd.s32 @!p0 $0x3E8, s29  }
0x1cc: {  	[tilespmem:s26], [sflag:$0x3] =	stream.indirect.gather @!p0 [hbm4b:s5+s1], $0x40, s0, s1, $0xb8;
	[tilespmem:$0x15E00] =	vst v63  }
0x1cd: {  	_ =	swait.ge [sflag:s19], $0x3200  }
0x1ce: {  	[sflag:s19] =	ssyncset.done $0x0  }
0x1cf: {  	s26 =	simm.s32 $0x0;
	[sflag:s19] =	ssyncadd.s32 $0xFFFFCE00  }
0x1d0: {  	v0 =	vld [tilespmem:s26+$0xFBF0]  }
0x1d1: {  	v1 =	vld [tilespmem:s26+$0x12DF0]  }
0x1d2: {  	v2 =	vld [tilespmem:s26+$0xFA00]  }
0x1d3: {  	v3 =	vld [tilespmem:s26+$0x12C00]  }
0x1d4: {  	v4 =	vld [tilespmem:s26+$0xFA10]  }
0x1d5: {  	v5 =	vld [tilespmem:s26+$0x12C10]  }
0x1d6: {  	v6 =	vld [tilespmem:s26+$0xFA20]  }
0x1d7: {  	v7 =	vld [tilespmem:s26+$0x12C20]  }
0x1d8: {  	v8 =	vld [tilespmem:s26+$0xFA30]  }
0x1d9: {  	v9 =	vld [tilespmem:s26+$0x12C30]  }
0x1da: {  	v10 =	vld [tilespmem:s26+$0xFA40]  }
0x1db: {  	v11 =	vld [tilespmem:s26+$0x12C40]  }
0x1dc: {  	v12 =	vld [tilespmem:s26+$0xFA50]  }
0x1dd: {  	v13 =	vld [tilespmem:s26+$0x12C50]  }
0x1de: {  	v14 =	vld [tilespmem:s26+$0xFA60]  }
0x1df: {  	v15 =	vld [tilespmem:s26+$0x12C60]  }
0x1e0: {  	v16 =	vld [tilespmem:s26+$0xFA70]  }
0x1e1: {  	v17 =	vld [tilespmem:s26+$0x12C70]  }
0x1e2: {  	v18 =	vld [tilespmem:s26+$0xFA80]  }
0x1e3: {  	v19 =	vld [tilespmem:s26+$0x12C80]  }
0x1e4: {  	v20 =	vld [tilespmem:s26+$0xFA90]  }
0x1e5: {  	v21 =	vld [tilespmem:s26+$0x12C90]  }
0x1e6: {  	v22 =	vld [tilespmem:s26+$0xFAA0]  }
0x1e7: {  	v23 =	vld [tilespmem:s26+$0x12CA0]  }
0x1e8: {  	v24 =	vld [tilespmem:s26+$0xFAB0]  }
0x1e9: {  	v25 =	vld [tilespmem:s26+$0x12CB0]  }
0x1ea: {  	v26 =	vld [tilespmem:s26+$0xFAC0]  }
0x1eb: {  	v27 =	vld [tilespmem:s26+$0x12CC0]  }
0x1ec: {  	v28 =	vld [tilespmem:s26+$0xFAD0]  }
0x1ed: {  	v29 =	vld [tilespmem:s26+$0x12CD0]  }
0x1ee: {  	v30 =	vld [tilespmem:s26+$0xFAE0]  }
0x1ef: {  	v31 =	vld [tilespmem:s26+$0x12CE0]  }
0x1f0: {  	v32 =	vld [tilespmem:s26+$0xFAF0]  }
0x1f1: {  	v51 =	vld [tilespmem:s26+$0x12D20];
	v0 =	vadd.f32 v1, v0  }
0x1f2: {  	v52 =	vld [tilespmem:s26+$0xFB30];
	v2 =	vadd.f32 v3, v2  }
0x1f3: {  	v53 =	vld [tilespmem:s26+$0x12D30];
	[tilespmem:s26+$0xFBF0] =	vst v0;
	v0 =	vadd.f32 v5, v4  }
0x1f4: {  	v54 =	vld [tilespmem:s26+$0xFB40];
	[tilespmem:s26+$0xFA00] =	vst v2;
	v2 =	vadd.f32 v7, v6  }
0x1f5: {  	v55 =	vld [tilespmem:s26+$0x12D40];
	[tilespmem:s26+$0xFA10] =	vst v0;
	v0 =	vadd.f32 v9, v8  }
0x1f6: {  	v56 =	vld [tilespmem:s26+$0xFB50];
	[tilespmem:s26+$0xFA20] =	vst v2;
	v2 =	vadd.f32 v11, v10  }
0x1f7: {  	v57 =	vld [tilespmem:s26+$0x12D50];
	[tilespmem:s26+$0xFA30] =	vst v0;
	v0 =	vadd.f32 v13, v12  }
0x1f8: {  	v58 =	vld [tilespmem:s26+$0xFB60];
	[tilespmem:s26+$0xFA40] =	vst v2;
	v2 =	vadd.f32 v15, v14  }
0x1f9: {  	v59 =	vld [tilespmem:s26+$0x12D60];
	[tilespmem:s26+$0xFA50] =	vst v0;
	v0 =	vadd.f32 v17, v16  }
0x1fa: {  	v1 =	vld [tilespmem:s26+$0x12CF0];
	[tilespmem:s26+$0xFA60] =	vst v2;
	v2 =	vadd.f32 v19, v18  }
0x1fb: {  	v3 =	vld [tilespmem:s26+$0xFB00];
	[tilespmem:s26+$0xFA70] =	vst v0;
	v0 =	vadd.f32 v21, v20  }
0x1fc: {  	v4 =	vld [tilespmem:s26+$0x12D00];
	[tilespmem:s26+$0xFA80] =	vst v2;
	v2 =	vadd.f32 v23, v22  }
0x1fd: {  	v5 =	vld [tilespmem:s26+$0xFB10];
	[tilespmem:s26+$0xFA90] =	vst v0;
	v0 =	vadd.f32 v25, v24  }
0x1fe: {  	v6 =	vld [tilespmem:s26+$0x12D10];
	[tilespmem:s26+$0xFAA0] =	vst v2;
	v2 =	vadd.f32 v27, v26  }
0x1ff: {  	v7 =	vld [tilespmem:s26+$0xFB20];
	[tilespmem:s26+$0xFAB0] =	vst v0;
	v0 =	vadd.f32 v29, v28  }
0x200: {  	v60 =	vld [tilespmem:s26+$0xFB70];
	[tilespmem:s26+$0xFAC0] =	vst v2;
	v2 =	vadd.f32 v31, v30  }
0x201: {  	v61 =	vld [tilespmem:s26+$0x12DA0];
	[tilespmem:s26+$0xFAD0] =	vst v0;
	v0 =	vadd.f32 v1, v32  }
0x202: {  	v1 =	vld [tilespmem:s26+$0x12D70];
	[tilespmem:s26+$0xFAE0] =	vst v2;
	v2 =	vadd.f32 v4, v3  }
0x203: {  	v3 =	vld [tilespmem:s26+$0xFB80];
	[tilespmem:s26+$0xFAF0] =	vst v0;
	v0 =	vadd.f32 v6, v5  }
0x204: {  	v4 =	vld [tilespmem:s26+$0x12D80];
	[tilespmem:s26+$0xFB00] =	vst v2;
	v2 =	vadd.f32 v51, v7  }
0x205: {  	v5 =	vld [tilespmem:s26+$0xFB90];
	[tilespmem:s26+$0xFB10] =	vst v0;
	v0 =	vadd.f32 v53, v52  }
0x206: {  	v6 =	vld [tilespmem:s26+$0x12D90];
	[tilespmem:s26+$0xFB20] =	vst v2;
	v2 =	vadd.f32 v55, v54  }
0x207: {  	v7 =	vld [tilespmem:s26+$0xFBA0];
	v1 =	vadd.f32 v1, v60;
	[tilespmem:s26+$0xFB30] =	vst v0  }
0x208: {  	v62 =	vld [tilespmem:s26+$0xFBB0];
	v0 =	vadd.f32 v57, v56;
	[tilespmem:s26+$0xFB40] =	vst v2  }
0x209: {  	v63 =	vld [tilespmem:s26+$0x12DB0];
	v2 =	vadd.f32 v59, v58;
	[tilespmem:s26+$0xFB70] =	vst v1  }
0x20a: {  	v3 =	vadd.f32 v4, v3;
	[tilespmem:s26+$0xFB50] =	vst v0;
	v0 =	vld [tilespmem:s26+$0xFBC0]  }
0x20b: {  	v4 =	vadd.f32 v6, v5;
	[tilespmem:s26+$0xFB60] =	vst v2;
	v2 =	vld [tilespmem:s26+$0x12DC0]  }
0x20c: {  	[tilespmem:s26+$0xFB80] =	vst v3;
	v3 =	vadd.f32 v61, v7;
	v1 =	vld [tilespmem:s26+$0xFBD0]  }
0x20d: {  	[tilespmem:s26+$0xFB90] =	vst v4;
	v4 =	vld [tilespmem:s26+$0x12DD0]  }
0x20e: {  	s1 =	simm.s32 $0x0;
	s0 =	simm.s32 $0x800;
	v5 =	vadd.f32 v63, v62;
	[tilespmem:s26+$0xFBA0] =	vst v3;
	v3 =	vld [tilespmem:s26+$0xFBE0]  }
.LBB2_9:
0x20f: {  	s29 =	sshra.s32 s0, $0x2;
	v6 =	vld [tilespmem:s26+$0x12DE0]  }
0x210: {  	s1 =	sadd.s32 $0x8, s1;
	v7 =	vld [tilespmem:s29+$0xFBF0];
	[tilespmem:s26+$0xFBB0] =	vst v5;
	v0 =	vadd.f32 v2, v0  }
0x211: {  	p0 =	slt.u32 s1, $0xC0;
	v2 =	vld [tilespmem:s29+$0x12DF0]  }
0x212: {  	v5 =	vld [tilespmem:s29+$0xFA00];
	[tilespmem:s26+$0xFBC0] =	vst v0;
	v0 =	vadd.f32 v4, v1  }
0x213: {  	v1 =	vld [tilespmem:s29+$0x12C00]  }
0x214: {  	v4 =	vld [tilespmem:s29+$0xFA10];
	[tilespmem:s26+$0xFBD0] =	vst v0;
	v0 =	vadd.f32 v6, v3  }
0x215: {  	v3 =	vld [tilespmem:s29+$0x12C10]  }
0x216: {  	v6 =	vld [tilespmem:s29+$0xFA20];
	v2 =	vadd.f32 v2, v7;
	[tilespmem:s26+$0xFBE0] =	vst v0;
	s26 =	smov.u32 s29  }
0x217: {  	v0 =	vld [tilespmem:s26+$0x12C20]  }
0x218: {  	v1 =	vadd.f32 v1, v5;
	v5 =	vld [tilespmem:s26+$0xFA30];
	[tilespmem:s26+$0xFBF0] =	vst v2  }
0x219: {  	v2 =	vld [tilespmem:s26+$0x12C30]  }
0x21a: {  	[tilespmem:s26+$0xFA00] =	vst v1;
	v1 =	vadd.f32 v3, v4;
	v3 =	vld [tilespmem:s26+$0xFA40]  }
0x21b: {  	v4 =	vld [tilespmem:s26+$0x12C40]  }
0x21c: {  	[tilespmem:s26+$0xFA10] =	vst v1;
	v0 =	vadd.f32 v0, v6;
	v1 =	vld [tilespmem:s26+$0xFA50]  }
0x21d: {  	v6 =	vld [tilespmem:s26+$0x12C50]  }
0x21e: {  	[tilespmem:s26+$0xFA20] =	vst v0;
	v0 =	vadd.f32 v2, v5;
	v2 =	vld [tilespmem:s26+$0xFA60]  }
0x21f: {  	v5 =	vld [tilespmem:s26+$0x12C60]  }
0x220: {  	[tilespmem:s26+$0xFA30] =	vst v0;
	v0 =	vadd.f32 v4, v3;
	v3 =	vld [tilespmem:s26+$0xFA70]  }
0x221: {  	v4 =	vld [tilespmem:s26+$0x12C70]  }
0x222: {  	[tilespmem:s26+$0xFA40] =	vst v0;
	v0 =	vadd.f32 v6, v1;
	v1 =	vld [tilespmem:s26+$0xFA80]  }
0x223: {  	v6 =	vld [tilespmem:s26+$0x12C80]  }
0x224: {  	[tilespmem:s26+$0xFA50] =	vst v0;
	v0 =	vadd.f32 v5, v2;
	v2 =	vld [tilespmem:s26+$0xFA90]  }
0x225: {  	v5 =	vld [tilespmem:s26+$0x12C90]  }
0x226: {  	[tilespmem:s26+$0xFA60] =	vst v0;
	v0 =	vadd.f32 v4, v3;
	v3 =	vld [tilespmem:s26+$0xFAA0]  }
0x227: {  	v4 =	vld [tilespmem:s26+$0x12CA0]  }
0x228: {  	[tilespmem:s26+$0xFA70] =	vst v0;
	v0 =	vadd.f32 v6, v1;
	v1 =	vld [tilespmem:s26+$0xFAB0]  }
0x229: {  	v6 =	vld [tilespmem:s26+$0x12CB0]  }
0x22a: {  	[tilespmem:s26+$0xFA80] =	vst v0;
	v0 =	vadd.f32 v5, v2;
	v2 =	vld [tilespmem:s26+$0xFAC0]  }
0x22b: {  	v5 =	vld [tilespmem:s26+$0x12CC0]  }
0x22c: {  	[tilespmem:s26+$0xFA90] =	vst v0;
	v0 =	vadd.f32 v4, v3;
	v3 =	vld [tilespmem:s26+$0xFAD0]  }
0x22d: {  	v4 =	vld [tilespmem:s26+$0x12CD0]  }
0x22e: {  	[tilespmem:s26+$0xFAA0] =	vst v0;
	v0 =	vadd.f32 v6, v1;
	v1 =	vld [tilespmem:s26+$0xFAE0]  }
0x22f: {  	v6 =	vld [tilespmem:s26+$0x12CE0]  }
0x230: {  	[tilespmem:s26+$0xFAB0] =	vst v0;
	v0 =	vadd.f32 v5, v2;
	v2 =	vld [tilespmem:s26+$0xFAF0]  }
0x231: {  	v5 =	vld [tilespmem:s26+$0x12CF0]  }
0x232: {  	[tilespmem:s26+$0xFAC0] =	vst v0;
	v0 =	vadd.f32 v4, v3;
	v3 =	vld [tilespmem:s26+$0xFB00]  }
0x233: {  	v4 =	vld [tilespmem:s26+$0x12D00]  }
0x234: {  	[tilespmem:s26+$0xFAD0] =	vst v0;
	v0 =	vadd.f32 v6, v1;
	v1 =	vld [tilespmem:s26+$0xFB10]  }
0x235: {  	v6 =	vld [tilespmem:s26+$0x12D10]  }
0x236: {  	[tilespmem:s26+$0xFAE0] =	vst v0;
	v0 =	vadd.f32 v5, v2;
	v2 =	vld [tilespmem:s26+$0xFB20]  }
0x237: {  	v5 =	vld [tilespmem:s26+$0x12D20]  }
0x238: {  	[tilespmem:s26+$0xFAF0] =	vst v0;
	v0 =	vadd.f32 v4, v3;
	v3 =	vld [tilespmem:s26+$0xFB30]  }
0x239: {  	v4 =	vld [tilespmem:s26+$0x12D30]  }
0x23a: {  	[tilespmem:s26+$0xFB00] =	vst v0;
	v0 =	vadd.f32 v6, v1;
	v1 =	vld [tilespmem:s26+$0xFB40]  }
0x23b: {  	v6 =	vld [tilespmem:s26+$0x12D40]  }
0x23c: {  	[tilespmem:s26+$0xFB10] =	vst v0;
	v0 =	vadd.f32 v5, v2;
	v2 =	vld [tilespmem:s26+$0xFB50]  }
0x23d: {  	v5 =	vld [tilespmem:s26+$0x12D50]  }
0x23e: {  	[tilespmem:s26+$0xFB20] =	vst v0;
	v0 =	vadd.f32 v4, v3;
	v3 =	vld [tilespmem:s26+$0xFB60]  }
0x23f: {  	v4 =	vld [tilespmem:s26+$0x12D60]  }
0x240: {  	[tilespmem:s26+$0xFB30] =	vst v0;
	v0 =	vadd.f32 v6, v1;
	v1 =	vld [tilespmem:s26+$0xFB70]  }
0x241: {  	v6 =	vld [tilespmem:s26+$0x12D70]  }
0x242: {  	[tilespmem:s26+$0xFB40] =	vst v0;
	v0 =	vadd.f32 v5, v2;
	v2 =	vld [tilespmem:s26+$0xFB80]  }
0x243: {  	v5 =	vld [tilespmem:s26+$0x12D80]  }
0x244: {  	[tilespmem:s26+$0xFB50] =	vst v0;
	v0 =	vadd.f32 v4, v3;
	v3 =	vld [tilespmem:s26+$0xFB90]  }
0x245: {  	v4 =	vld [tilespmem:s26+$0x12D90]  }
0x246: {  	[tilespmem:s26+$0xFB60] =	vst v0;
	v0 =	vadd.f32 v6, v1;
	v1 =	vld [tilespmem:s26+$0xFBA0]  }
0x247: {  	v6 =	vld [tilespmem:s26+$0x12DA0]  }
0x248: {  	[tilespmem:s26+$0xFB70] =	vst v0;
	v0 =	vadd.f32 v5, v2;
	v5 =	vld [tilespmem:s26+$0xFBB0]  }
0x249: {  	v7 =	vld [tilespmem:s26+$0x12DB0]  }
.Ltmp3:
0x24a: {  	[tilespmem:s26+$0xFB80] =	vst v0;
	v3 =	vadd.f32 v4, v3;
	v0 =	vld [tilespmem:s26+$0xFBC0];
	(pc) =	sbr.rel @p0 .LBB2_9-.Ltmp3, $4  }
0x24b: {  	v2 =	vld [tilespmem:s26+$0x12DC0]  }
0x24c: {  	[tilespmem:s26+$0xFB90] =	vst v3;
	v3 =	vadd.f32 v6, v1;
	v1 =	vld [tilespmem:s26+$0xFBD0]  }
0x24d: {  	v4 =	vld [tilespmem:s26+$0x12DD0]  }
0x24e: {  	s0 =	sadd.s32 $0x800, s0;
	[tilespmem:s26+$0xFBA0] =	vst v3;
	v5 =	vadd.f32 v7, v5;
	v3 =	vld [tilespmem:s26+$0xFBE0]  }
0x24f: {  	v6 =	vld [tilespmem:s26+$0x12DE0];
	_ =	sdelay $0x1  }
0x250: {  	s25 =	sadd.s32 $0x1, s25  }
0x251: {  	v0 =	vadd.f32 v2, v0;
	p0 =	sne.s32 s25, $0x20  }
.Ltmp4:
0x252: {  	s0 =	sadd.s32 s4, s28;
	[tilespmem:s26+$0xFBB0] =	vst v5;
	v1 =	vadd.f32 v4, v1;
	(pc) =	sbr.rel @p0 .LBB2_2-.Ltmp4, $4  }
0x253: {  	s0 =	smul.u32 $0x640, s0;
	[tilespmem:s26+$0xFBC0] =	vst v0;
	v63 =	vadd.f32 v6, v3  }
0x254: {  	[tilespmem:s26+$0xFBD0] =	vst v1  }
0x255: {  	s0 =	sadd.s32 s2, s0;
	[tilespmem:s26+$0xFBE0] =	vst v63  }
0x256: {  	[hbm4b:s0+s3] =	stream.linear.scatter [tilespmem:s16], [sflag:$0x9], $0x3200, $0x38;
	[tilespmem:$0x15E00] =	vst v63  }
0x257: {  	_ =	swait.ge [sflag:s20], $0x3200  }
0x258: {  	[sflag:s20] =	ssyncset.done $0x0  }
0x259: {  	[sflag:s20] =	ssyncadd.s32 $0xFFFFCE00  }
0x25a: {  	_ =	swait.ge [sflag:s21], $0x3200  }
0x25b: {  	[sflag:s21] =	ssyncset.done $0x0  }
0x25c: {  	s24 =	sadd.s32 $0x1, s24;
	[sflag:s21] =	ssyncadd.s32 $0xFFFFCE00  }
0x25d: {  	p0 =	sne.s32 s24, s8;
	_ =	swait.ge [sflag:s22], $0x3200  }
.Ltmp5:
0x25e: {  	[sflag:s22] =	ssyncset.done $0x0;
	(pc) =	sbr.rel @p0 .LBB2_1-.Ltmp5, $4  }
0x25f: {  	[sflag:s22] =	ssyncadd.s32 $0xFFFFCE00  }
0x260: {  	_ =	swait.ge [sflag:s23], $0x3200  }
0x261: {  	[sflag:s23] =	ssyncset.done $0x0  }
0x262: {  	[sflag:s23] =	ssyncadd.s32 $0xFFFFCE00  }
0x263: {  	_ =	sfence.sel $0x180000  }
0x264: {  	[bflag:$0x0] =	sbarrier.arrive $0xFFFF  }
0x265: {  	_ =	strace $0x90000047  }
0x266: {  	s0 =	stileid.u32;
	[bflag:$0x2] =	sbarrier.arrive $0xFFFF  }
0x267: {  	p0 =	sne.s32 s0, $0x0;
	s0 =	rddreg [dreg:$0x2]  }
0x268: {  	s0 =	sadd.s32 @!p0 $0x100000, s0  }
0x269: {  	[sflag:s0] =	ssyncadd.tile.s32 @!p0 $0x1;
	_ =	shalt  }
.Lfunc_end2:
_tile_overlayer_lowered:
.L_overlay_start_2:
0x26a: {  	(tag) =	ssettag $0x2  }
0x26b: {  	s0 =	rddreg [dreg:$0x0];
	s2 =	stileid.u32  }
0x26c: {  	s1 =	rddreg [dreg:$0x1];
	p0 =	sne.s32 s2, $0x0  }
0x26d: {  	s3 =	rddreg [dreg:$0x2];
	[bflag:$0x3] =	sbarrier.arrive $0xFFFF;
	s2 =	simm.s32 @!p0 $0x1C0A  }
0x26e: {  	[timem:s3], [sflag:s2] =	dma.local @!p0 [hbm:s0], s1  }
0x26f: {  	s0 =	simm.s32 @!p0 $0xA  }
0x270: {  	_ =	swait.ge @!p0 [sflag:s0], s1  }
0x271: {  	s1 =	ssub.s32 @!p0 $0x0, s1;
	[sflag:s0] =	ssyncset.done @!p0 $0x0  }
0x272: {  	[sflag:s0] =	ssyncadd.s32 @!p0 s1  }
0x273: {  	[bflag:$0x3] =	sbarrier.arrive $0xFFFF  }
0x274: {  	_ =	shalt  }

// kernel: sparse-core-data-format-call.cloned.1.call-start
scs
called_computation_lowered:
.L_overlay_start_0:
0x0: {  	s2 =	sld [smem:$0x3FD9]  }
0x1: {  	s3 =	sld [smem:$0x3FFE];
	_ =	sdelay $0x1  }
0x2: {  	s1 =	srdreg.scid  }
0x3: {  	s0 =	sand.u32 $0x1, s1  }
0x4: {  	s18 =	sshll.u32 s0, $0xA;
	s2 =	sadd.s32 s3, s2  }
0x5: {  	s2 =	sadd.s32 s2, s18  }
0x6: {  	[smem:$0x3FC6] =	sst s2  }
0x7: {  	_ = 	snop  }
0x8: {  	s2 =	sld [smem:$0x3FD0];
	(tm) =	ssettm $0x1  }
0x9: {  	s19 =	sld [smem:$0x3FFB];
	_ =	sdelay $0x3  }
0xa: {  	_ =	strace s19  }
0xb: {  	s3 =	sld [smem:$0x3FFC];
	_ =	sdelay $0x3  }
0xc: {  	_ =	strace s3  }
0xd: {  	s3 =	sld [smem:$0x3FFD];
	_ =	sdelay $0x3  }
0xe: {  	_ =	strace s3  }
0xf: {  	_ =	strace $0x8FFFFFFF  }
0x10: {  	s20 =	sld [smem:$0x3FDB];
	_ =	sdelay $0x1  }
0x11: {  	s4 =	simm.s32 $_scs_section_size  }
0x12: {  	s5 =	simm.s32 $_size__tile_overlayer_lowered;
	s6 =	simm.s32 $_tile_overlayer_lowered  }
0x13: {  	s23 =	simm.s32 $0x1BFF;
	s22 =	sshll.u32 s6, $0x1;
	s3 =	sadd.s32 s4, s20  }
0x14: {  	s7 =	simm.s32 $0x0;
	s21 =	sshll.u32 s5, $0x1;
	s5 =	sadd.s32 s22, s3  }
0x15: {  	[timem:s7], [sflag:s23] =	dma.local [hbm:s5], s21  }
0x16: {  	_ =	swait.ge [sflag:s23], s21  }
0x17: {  	s4 =	ssub.s32 $0x0, s21;
	[sflag:s23] =	ssyncset.done $0x0  }
0x18: {  	[sflag:s23] =	ssyncadd.s32 s4;
	_ =	sdelay $0x1  }
0x19: {  	s24 =	simm.s32 $0x1B8B  }
0x1a: {  	_ =	swait.ge [sflag:s24], $0x1  }
0x1b: {  	[sflag:s24] =	ssyncset.done $0x0  }
0x1c: {  	s26 =	simm.s32 $0x1B8E;
	s25 =	sld [smem:$0x3FFE];
	[sflag:s24] =	ssyncadd.s32 $0xFFFFFFFF  }
0x1d: {  	s27 =	simm.s32 $execute0_lowered;
	[smem:$0x3FD2] =	sst s26  }
0x1e: {  	s5 =	sshll.u32 s27, $0x1;
	_ =	strace $0x80000049;
	[dreg:$0x1] =	wrdreg $0xFFFFFFFF  }
0x1f: {  	s28 =	simm.s32 $_size_execute0_lowered;
	s3 =	sadd.s32 s3, s5;
	[dreg:$0x0] =	wrdreg $0x0  }
0x20: {  	s5 =	sshll.u32 s28, $0x1;
	[dreg:$0x2] =	wrdreg s3  }
0x21: {  	[dreg:$0x3] =	wrdreg s5  }
0x22: {  	[dreg:$0x4] =	wrdreg $0xC0  }
0x23: {  	_ =	task [dreg:s7], $0x5FFFF  }
0x24: {  	[dreg:$0x1] =	wrdreg $0xFFFFFFFF  }
0x25: {  	[dreg:$0x0] =	wrdreg $0x60  }
0x26: {  	[dreg:$0x2] =	wrdreg s25  }
0x27: {  	[dreg:$0x3] =	wrdreg s2  }
0x28: {  	[dreg:$0x4] =	wrdreg $0x9  }
0x29: {  	_ =	task.clear_ibuf [dreg:s7], $0x5FFFF;
	_ =	strace $0x90000049  }
0x2a: {  	s29 =	simm.s32 $0x9;
	_ =	strace $0x8000004B  }
0x2b: {  	_ =	swait.ge [sflag:s29], $0x1  }
0x2c: {  	[sflag:s29] =	ssyncadd.s32 $0xFFFFFFFF  }
0x2d: {  	_ =	strace $0x9000004B  }
0x2e: {  	_ =	sfence  }
0x2f: {  	s30 =	sld [smem:$0x0];
	_ =	sdelay $0x2  }
0x30: {  	s31 =	sshll.u32 s1, $0xD;
	s1 =	sshrl.u32 s1, $0x2  }
0x31: {  	s3 =	sand.u32 $0x4000, s31;
	s1 =	sadd.s32 s1, s30  }
0x32: {  	s0 =	sor.u32 s3, s0;
	s1 =	sshll.u32 s1, $0x11  }
0x33: {  	s0 =	sor.u32 s1, s0  }
0x34: {  	s0 =	sadd.s32 $0x8F2B, s0  }
0x35: {  	[sflag:s0] =	ssyncadd.remote.s32 $0x1  }
0x36: {  	_ =	sfence.sel $0xFFFF  }
0x37: {  	[dreg:$0x0] =	wrdreg $0xFFFFFFFF;
	(pc) =	sbr.abs _section_cstart, $3  }
0x38: {  	[dreg:$0x1] =	wrdreg $0xFFFFFFFF  }
0x39: {  	_ =	task.clear_ibuf [dreg:s7], $0x2FFFF;
	_ =	strace $0x9FFFFFFF  }
0x3a: {  	(tm) =	ssettm $0x7FFFFFFF  }
0x3b: {  	_ =	shalt  }
tec
execute0_lowered:
.L_overlay_start_1:
0x0: {  	(tag) =	ssettag $0x1  }
0x1: {  	s0 =	srdreg.scid  }
0x2: {  	s1 =	sshll.u32 s0, $0x4  }
0x3: {  	s0 =	stileid.u32;
	s1 =	sand.u32 $0x10, s1  }
0x4: {  	s1 =	sor.u32 s0, s1  }
0x5: {  	s6 =	rddreg [dreg:$0x0];
	s4 =	simm.s32 $0x1;
	s2 =	sshll.u32 s1, $0x7  }
0x6: {  	s7 =	simm.s32 $0x2;
	s12 =	simm.s32 $0x0;
	s1 =	ssub.s32 $0x1000, s2  }
0x7: {  	s8 =	simm.s32 $0x8000;
	s13 =	simm.s32 $0x0;
	s3 =	sand.u32 $0xF80, s1  }
0x8: {  	s9 =	simm.s32 $0x0;
	s5 =	sshrl.u32 s1, $0xC;
	p0 =	sne.s32 s3, $0x0  }
.Ltmp0:
0x9: {  	s1 =	rddreg [dreg:$0x2];
	s4 =	simm.s32 @!p0 $0x0;
	(pc) =	sbr.rel .LBB1_1-.Ltmp0, $4  }
0xa: {  	s11 =	simm.s32 $0x0;
	s3 =	rddreg [dreg:$0x1];
	s5 =	sadd.s32 s4, s5  }
0xb: {  	_ =	strace $0x8000004A;
	s4 =	simm.s32 $0x1;
	s5 =	smul.u32 $0xC8, s5  }
0xc: {  	s6 =	sadd.s32 $0xC00, s6;
	s10 =	smov.u32 s2;
	[sflag:s4] =	ssyncpa.u1 $0x0  }
0xd: {  	p0 =	por $0x0, $0x0;
	[sflag:s7] =	ssyncpa.u1 $0x0;
	s7 =	sor.u32 $0x1, s5  }
.LBB1_4:
0xe: {  	s16 =	sshll.u32 s13, $0x3;
	s17 =	sand.u32 $0x78, s13  }
0xf: {  	s30 =	sand.u32 $0x7E00, s13;
	s12 =	sshll.u32 s12, $0xF;
	s16 =	sand.u32 $0xC00, s16  }
0x10: {  	[tilespmem:s15+$0x810 ss:$0x81] =	vst.msk $0xffff, v2;
	s31 =	sand.u32 $0x7, s13;
	s16 =	sor.u32 s17, s16;
	s17 =	sadd.s32 s3, s30  }
0x11: {  	[tilespmem:s15+$0x1020 ss:$0x81] =	vst.msk $0xffff, v0;
	s13 =	sshll.u32 s31, $0x12;
	s12 =	sadd.s32 s12, s17;
	s16 =	sshrl.u32 s16, $0x3  }
0x12: {  	[tilespmem:s15+$0x0 ss:$0x81] =	vst.msk $0xffff, v1;
	s13 =	sor.u32 $0x400, s13;
	s12 =	sadd.s32 s16, s12  }
0x13: {  	[hbm4b:s12+s13] =	stream.strided.scatter [tilespmem:s14], [sflag:$0x2], $0x2000, s8, s13, $0x20;
	[tilespmem:$0x8080] =	vst v63  }
.LBB1_5:
0x14: {  	s14 =	sadd.s32 $0x1, s9  }
0x15: {  	s12 =	sadd.s32 $0x1000, s10;
	s16 =	smov.u32 s10;
	p2 =	sgt.s32 s14, $0xC7  }
0x16: {  	s16 =	smov.u32 @p2 s12  }
0x17: {  	s14 =	simm.s32 @p2 $0x0;
	p2 =	sgt.s32 s16, $0xFFF  }
0x18: {  	s16 =	smov.u32 @p2 s2;
	p2 =	sne.s32 s11, s7  }
.Ltmp1:
0x19: {  	p1 =	slt.u32 s11, $0x2;
	(pc) =	sbr.rel @!p2 .LBB1_6-.Ltmp1, $4  }
0x1a: {  	s15 =	simm.s32 @!p1 $0x2  }
0x1b: {  	s13 =	smov.u32 s10;
	p0 =	por !p0, !p0;
	_ =	swait.ge @!p1 [sflag:s15], $0x2000  }
0x1c: {  	s12 =	smov.u32 s9;
	[sflag:s15] =	ssyncset.done @!p1 $0x0;
	s9 =	smov.u32 s14  }
0x1d: {  	s11 =	sadd.s32 $0x1, s11;
	[sflag:s15] =	ssyncadd.s32 @!p1 $0xFFFFE000;
	s10 =	smov.u32 s16  }
.LBB1_1:
0x1e: {  	p1 =	sge.u32 s11, s5  }
0x1f: {  	s14 =	sand.u32 @!p1 $0x1FFFFFF, s9  }
0x20: {  	s15 =	smulhi.u32 @!p1 $0x147AE15, s14;
	_ =	sdelay $0x1  }
0x21: {  	s15 =	smul.u32 @!p1 $0xC8, s15  }
0x22: {  	s16 =	sxor.u32 @!p1 $0xFFFFFFFF, s11;
	s17 =	smul.u32 @!p1 $0xC80, s10  }
0x23: {  	s31 =	sadd.s32 $0xFFFFFFFF, s11;
	s16 =	sshll.u32 @!p1 s16, $0xD;
	s14 =	ssub.s32 @!p1 s14, s15  }
0x24: {  	s15 =	sand.u32 @!p1 $0x2000, s16;
	s16 =	sadd.s32 @!p1 s6, s17;
	s14 =	sshll.u32 @!p1 s14, $0x4  }
0x25: {  	s17 =	simm.s32 @!p1 $0x6400;
	s14 =	sadd.s32 @!p1 s14, s16;
	s16 =	simm.s32 @!p1 $0x40  }
0x26: {  	[tilespmem:s15], [sflag:$0x1] =	stream.strided.gather @!p1 [hbm4b:s14+s16], $0x2000, s17, s16, $0x38;
	[tilespmem:$0x8080] =	vst v63  }
0x27: {  	p1 =	sge.u32 s31, s5  }
.Ltmp2:
0x28: {  	_ = 	snop;
	(pc) =	sbr.rel @p1 .LBB1_5-.Ltmp2, $1  }
0x29: {  	_ =	sdelay $0x3  }
0x2a: {  	s14 =	simm.s32 $0x1  }
0x2b: {  	_ =	swait.ge [sflag:s4], $0x2000;
	s14 =	simm.s32 @!p0 $0x0  }
0x2c: {  	[sflag:s4] =	ssyncset.done $0x0;
	s15 =	sshll.u32 s14, $0xD  }
0x2d: {  	[sflag:s4] =	ssyncadd.s32 $0xFFFFE000;
	s18 =	sor.u32 $0x20, s15  }
0x2e: {  	s14 =	smul.u32 $0x8100, s14;
	v3 =	vld [tilespmem:s18+$0x10]  }
0x2f: {  	s30 =	sand.u32 $0x1, s11;
	v2 =	vld [tilespmem:s18+$0xFFFFFFF0]  }
0x30: {  	s15 =	smul.u32 $0x8100, s30;
	s14 =	sshrl.u32 s14, $0x2;
	v0 =	vld [tilespmem:s18+$0x0]  }
0x31: {  	v1 =	vld [tilespmem:s18+$0xFFFFFFE0];
	s16 =	sor.u32 $0x4000, s14  }
0x32: {  	s31 =	sshrl.u32 s15, $0x2;
	s15 =	sadd.s32 $0x0, s16  }
0x33: {  	s17 =	simm.s32 $0x4;
	s18 =	sadd.s32 $0x40, s18;
	s14 =	sor.u32 $0x4000, s31;
	[tilespmem:s15+$0x1830 ss:$0x81] =	vst.msk $0xffff, v3  }
.LBB1_3:
0x34: {  	v3 =	vld [tilespmem:s18+$0x10];
	p1 =	sne.s32 s17, $0x1FC;
	[tilespmem:s15+$0x810 ss:$0x81] =	vst.msk $0xffff, v2;
	s19 =	smov.u32 s17;
	s17 =	sadd.s32 $0x4, s17  }
.Ltmp3:
0x35: {  	v2 =	vld [tilespmem:s18+$0xFFFFFFF0];
	[tilespmem:s15+$0x1020 ss:$0x81] =	vst.msk $0xffff, v0;
	(pc) =	sbr.rel @p1 .LBB1_3-.Ltmp3, $4  }
0x36: {  	v0 =	vld [tilespmem:s18+$0x0];
	[tilespmem:s15+$0x0 ss:$0x81] =	vst.msk $0xffff, v1  }
0x37: {  	s15 =	sshra.s32 s19, $0x2;
	v1 =	vld [tilespmem:s18+$0xFFFFFFE0]  }
0x38: {  	s15 =	sadd.s32 s15, s16  }
0x39: {  	s18 =	sadd.s32 $0x40, s18;
	[tilespmem:s15+$0x1830 ss:$0x81] =	vst.msk $0xffff, v3  }
.Ltmp4:
0x3a: {  	_ = 	snop;
	(pc) =	sbr.rel .LBB1_4-.Ltmp4, $1  }
0x3b: {  	_ =	sdelay $0x3  }
.LBB1_6:
0x3c: {  	_ =	sfence.sel $0x180000  }
0x3d: {  	s2 =	simm.s32 $0x1;
	[bflag:$0x0] =	sbarrier.arrive $0xFFFF  }
0x3e: {  	s31 =	simm.s32 $0x2;
	[sflag:s2] =	ssyncpa.u1 $0x1  }
0x3f: {  	[sflag:s31] =	ssyncpa.u1 $0x1  }
0x40: {  	p0 =	sne.s32 s0, $0x0;
	_ =	strace $0x9000004A  }
0x41: {  	s0 =	sadd.s32 @!p0 $0x100000, s1;
	[bflag:$0x2] =	sbarrier.arrive $0xFFFF  }
0x42: {  	[sflag:s0] =	ssyncadd.tile.s32 @!p0 $0x1;
	_ =	shalt  }
.Lfunc_end1:
_tile_overlayer_lowered:
.L_overlay_start_2:
0x43: {  	(tag) =	ssettag $0x2  }
0x44: {  	s0 =	rddreg [dreg:$0x0];
	s2 =	stileid.u32  }
0x45: {  	s1 =	rddreg [dreg:$0x1];
	p0 =	sne.s32 s2, $0x0  }
0x46: {  	s3 =	rddreg [dreg:$0x2];
	[bflag:$0x3] =	sbarrier.arrive $0xFFFF;
	s2 =	simm.s32 @!p0 $0x1C01  }
0x47: {  	[timem:s3], [sflag:s2] =	dma.local @!p0 [hbm:s0], s1  }
0x48: {  	s0 =	simm.s32 @!p0 $0x1  }
0x49: {  	_ =	swait.ge @!p0 [sflag:s0], s1  }
0x4a: {  	s1 =	ssub.s32 @!p0 $0x0, s1;
	[sflag:s0] =	ssyncset.done @!p0 $0x0  }
0x4b: {  	[sflag:s0] =	ssyncadd.s32 @!p0 s1  }
0x4c: {  	[bflag:$0x3] =	sbarrier.arrive $0xFFFF  }
0x4d: {  	_ =	shalt  }

</sc_bundles>
